<compile_context>
chip_gen: v7x
topology: tpu7x:2x2x1
jax: 0.10.2.dev20260603
libtpu: 0.0.44.dev20260713+nightly
codegen_flags: <defaults>
</compile_context>

<pallas_src>
import functools

import jax
import jax.numpy as jnp
from jax import lax
from jax.experimental import pallas as pl
from jax.experimental.pallas import tpu as pltpu
from jax.experimental.pallas import tpu_sc as plsc

_LANES = 16
_NBUF = 2


def _make_sc_kernel(B, S, D, NW, NC, CS, S1=0):
    rows_per_w = (S - S1) // NW
    nchunk = rows_per_w // CS
    nvec = D // _LANES
    mesh = plsc.VectorSubcoreMesh(core_axis_name="c", subcore_axis_name="s")

    @functools.partial(
        pl.kernel,
        mesh=mesh,
        out_type=jax.ShapeDtypeStruct((B, S, D), jnp.float32),
        scratch_types=[
            pltpu.VMEM((_NBUF, CS, D), jnp.float32),
            pltpu.VMEM((_NBUF, B, CS, D), jnp.float32),
            pltpu.SemaphoreType.DMA((_NBUF,)),
            pltpu.SemaphoreType.DMA((_NBUF,)),
        ],
    )
    def sc_pe_add(x_hbm, pe_hbm, out_hbm, pebuf, xbuf, sem_in, sem_out):
        wid = lax.axis_index("s") * NC + lax.axis_index("c")
        s_base = S1 + wid * rows_per_w

        def start_in(j, s):
            s0 = s_base + j * CS
            pltpu.async_copy(pe_hbm.at[pl.ds(s0, CS)], pebuf.at[s], sem_in.at[s])
            pltpu.async_copy(x_hbm.at[:, pl.ds(s0, CS)], xbuf.at[s], sem_in.at[s])

        def wait_in(s):
            pltpu.make_async_copy(
                pe_hbm.at[pl.ds(0, CS)], pebuf.at[s], sem_in.at[s]
            ).wait()
            pltpu.make_async_copy(
                x_hbm.at[:, pl.ds(0, CS)], xbuf.at[s], sem_in.at[s]
            ).wait()

        def start_out(j, s):
            s0 = s_base + j * CS
            pltpu.async_copy(xbuf.at[s], out_hbm.at[:, pl.ds(s0, CS)], sem_out.at[s])

        def wait_out(s):
            pltpu.make_async_copy(
                xbuf.at[s], out_hbm.at[:, pl.ds(0, CS)], sem_out.at[s]
            ).wait()

        def compute(s):
            @plsc.parallel_loop(0, CS * nvec, unroll=8)
            def _(t):
                ci = t // nvec
                k = t - ci * nvec
                sl = pl.ds(k * _LANES, _LANES)
                pv = pebuf[s, ci, sl]
                for b in range(B):
                    plsc.addupdate(xbuf.at[s, b, ci, sl], pv)

        for s in range(_NBUF):
            start_in(s, s)

        def ring(g, carry):
            for s in range(_NBUF):
                j = g * _NBUF + s
                wait_in(s)
                compute(s)
                start_out(j, s)

                def refill(jj=j, ss=s):
                    wait_out(ss)
                    start_in(jj + _NBUF, ss)

                pl.when(j + _NBUF < nchunk)(refill)
            return carry

        lax.fori_loop(0, nchunk // _NBUF, ring, 0)
        for s in range(_NBUF):
            wait_out(s)

    return sc_pe_add


def kernel(x, pe_table):
    B, S, D = x.shape
    info = plsc.get_sparse_core_info()
    NC, NS = info.num_cores, info.num_subcores
    return _make_sc_kernel(B, S, D, NC * NS, NC, 8)(x, pe_table)

# --- scband reference (transcript-rebuilt; emitter-appended) ---
"""Pipeline reference for scband-learned-pe-3624952398456 (READ-ONLY COPY).

The authoritative reference and input builder live on the scoring server;
editing this copy changes nothing except your own understanding.
"""

import jax, jax.numpy as jnp
import numpy as np


def setup_inputs(seed: int = 0) -> dict:
    key = jax.random.key(seed)
    k_x, k_pe = jax.random.split(key)
    x = jax.random.normal(k_x, (4, 4096, 1024), dtype=jnp.float32)
    # learned positional embedding table, nn.Embedding default init ~ N(0,1)
    pe_table = jax.random.normal(k_pe, (4096, 1024), dtype=jnp.float32)
    return {"x": x, "pe_table": pe_table}


def reference(x, pe_table):
    # pos = arange(seq_len); gather rows from the embedding table; add to residual stream
    pos = jnp.arange(x.shape[1])
    pe = jnp.take(pe_table, pos, axis=0)  # [S, dim]
    return x + pe[None, :, :]

if __name__ == "__main__":
    import jax
    _d = setup_inputs()
    print(jax.jit(kernel)(*tuple(_d.values())))

</pallas_src>

<mosaic_0001>
#map = affine_map<(d0, d1) -> (0, 0, 0)>
#map1 = affine_map<(d0, d1) -> (0, 0)>
module attributes {stable_mosaic.version = 14 : i64} {
  func.func @sc_pe_add(%arg0: i32, %arg1: i32, %arg2: memref<4x4096x1024xf32, #tpu.memory_space<hbm>>, %arg3: memref<4096x1024xf32, #tpu.memory_space<hbm>>, %arg4: memref<4x4096x1024xf32, #tpu.memory_space<hbm>>, %arg5: memref<2x8x1024xf32, #tpu.memory_space<vmem>>, %arg6: memref<2x4x8x1024xf32, #tpu.memory_space<vmem>>, %arg7: memref<2x!tpu.dma_semaphore, #tpu.memory_space<semaphore_mem>>, %arg8: memref<2x!tpu.dma_semaphore, #tpu.memory_space<semaphore_mem>>) attributes {dimension_semantics = [#tpu.dimension_semantics<core_parallel>, #tpu.dimension_semantics<subcore_parallel>], iteration_bounds = array<i64: 2, 16>, scalar_prefetch = 0 : i64, scratch_operands = 4 : i64, tpu.core_type = #tpu.core_type<sc_vector_subcore>, window_params = [{transform_indices = #map}, {transform_indices = #map1}, {transform_indices = #map}]} {
    %mul3A = arith.constant 2 : i32
    %mul3A_0 = arith.muli %arg1, %mul3A : i32
    %add3A = arith.addi %mul3A_0, %arg0 : i32
    %mul3A_1 = arith.constant 128 : i32
    %mul3A_2 = arith.muli %add3A, %mul3A_1 : i32
    %add3A_3 = arith.constant 0 : i32
    %add3A_4 = arith.addi %add3A_3, %mul3A_2 : i32
    %add3A_5 = arith.constant 0 : i32
    %add3A_6 = arith.addi %add3A_4, %add3A_5 : i32
    %dma_start3A = arith.constant 0 : i32
    %dma_start3A_7 = arith.constant 0 : i32
    %dma_start3A_8 = arith.constant 0 : i32
    %dma_start3A_9 = arith.constant 0 : i32
    %dma_start3A_10 = tpu.memref_slice %arg5[%dma_start3A, %dma_start3A_8, %dma_start3A_9] : memref<2x8x1024xf32, #tpu.memory_space<vmem>> -> memref<1x8x1024xf32, #tpu.memory_space<vmem>>
    %dma_start3A_11 = tpu.memref_squeeze %dma_start3A_10 : memref<1x8x1024xf32, #tpu.memory_space<vmem>> -> memref<8x1024xf32, #tpu.memory_space<vmem>>
    %dma_start3A_12 = arith.constant 0 : i32
    %dma_start3A_13 = tpu.memref_slice %arg3[%add3A_6, %dma_start3A_12] : memref<4096x1024xf32, #tpu.memory_space<hbm>> -> memref<8x1024xf32, #tpu.memory_space<hbm>>
    %dma_start3A_14 = tpu.memref_slice %arg7[%dma_start3A_7] : memref<2x!tpu.dma_semaphore, #tpu.memory_space<semaphore_mem>> -> memref<1x!tpu.dma_semaphore, #tpu.memory_space<semaphore_mem>>
    %dma_start3A_15 = tpu.memref_squeeze %dma_start3A_14 : memref<1x!tpu.dma_semaphore, #tpu.memory_space<semaphore_mem>> -> memref<!tpu.dma_semaphore, #tpu.memory_space<semaphore_mem>>
    %dma_start3A_16 = arith.constant 0 : i32
    %dma_start3A_17 = arith.constant 0 : i32
    %dma_start3A_18 = tpu.memref_slice %arg5[%dma_start3A, %dma_start3A_16, %dma_start3A_17] : memref<2x8x1024xf32, #tpu.memory_space<vmem>> -> memref<1x8x1024xf32, #tpu.memory_space<vmem>>
    %dma_start3A_19 = tpu.memref_squeeze %dma_start3A_18 : memref<1x8x1024xf32, #tpu.memory_space<vmem>> -> memref<8x1024xf32, #tpu.memory_space<vmem>>
    %dma_start3A_20 = arith.constant 0 : i32
    %dma_start3A_21 = tpu.memref_slice %arg3[%add3A_6, %dma_start3A_20] : memref<4096x1024xf32, #tpu.memory_space<hbm>> -> memref<8x1024xf32, #tpu.memory_space<hbm>>
    tpu.enqueue_dma source(%dma_start3A_21 : memref<8x1024xf32, #tpu.memory_space<hbm>>) target(%dma_start3A_19 : memref<8x1024xf32, #tpu.memory_space<vmem>>) target_semaphore(%dma_start3A_15 : memref<!tpu.dma_semaphore, #tpu.memory_space<semaphore_mem>>)
    %dma_start3A_22 = arith.constant 0 : i32
    %dma_start3A_23 = arith.constant 0 : i32
    %dma_start3A_24 = arith.constant 0 : i32
    %dma_start3A_25 = arith.constant 0 : i32
    %dma_start3A_26 = arith.constant 0 : i32
    %dma_start3A_27 = tpu.memref_slice %arg6[%dma_start3A_22, %dma_start3A_24, %dma_start3A_25, %dma_start3A_26] : memref<2x4x8x1024xf32, #tpu.memory_space<vmem>> -> memref<1x4x8x1024xf32, #tpu.memory_space<vmem>>
    %dma_start3A_28 = tpu.memref_squeeze %dma_start3A_27 : memref<1x4x8x1024xf32, #tpu.memory_space<vmem>> -> memref<4x8x1024xf32, #tpu.memory_space<vmem>>
    %dma_start3A_29 = arith.constant 0 : i32
    %dma_start3A_30 = arith.constant 0 : i32
    %dma_start3A_31 = tpu.memref_slice %arg2[%dma_start3A_29, %add3A_6, %dma_start3A_30] : memref<4x4096x1024xf32, #tpu.memory_space<hbm>> -> memref<4x8x1024xf32, #tpu.memory_space<hbm>>
    %dma_start3A_32 = tpu.memref_slice %arg7[%dma_start3A_23] : memref<2x!tpu.dma_semaphore, #tpu.memory_space<semaphore_mem>> -> memref<1x!tpu.dma_semaphore, #tpu.memory_space<semaphore_mem>>
    %dma_start3A_33 = tpu.memref_squeeze %dma_start3A_32 : memref<1x!tpu.dma_semaphore, #tpu.memory_space<semaphore_mem>> -> memref<!tpu.dma_semaphore, #tpu.memory_space<semaphore_mem>>
    %dma_start3A_34 = arith.constant 0 : i32
    %dma_start3A_35 = arith.constant 0 : i32
    %dma_start3A_36 = arith.constant 0 : i32
    %dma_start3A_37 = tpu.memref_slice %arg6[%dma_start3A_22, %dma_start3A_34, %dma_start3A_35, %dma_start3A_36] : memref<2x4x8x1024xf32, #tpu.memory_space<vmem>> -> memref<1x4x8x1024xf32, #tpu.memory_space<vmem>>
    %dma_start3A_38 = tpu.memref_squeeze %dma_start3A_37 : memref<1x4x8x1024xf32, #tpu.memory_space<vmem>> -> memref<4x8x1024xf32, #tpu.memory_space<vmem>>
    %dma_start3A_39 = arith.constant 0 : i32
    %dma_start3A_40 = arith.constant 0 : i32
    %dma_start3A_41 = tpu.memref_slice %arg2[%dma_start3A_39, %add3A_6, %dma_start3A_40] : memref<4x4096x1024xf32, #tpu.memory_space<hbm>> -> memref<4x8x1024xf32, #tpu.memory_space<hbm>>
    tpu.enqueue_dma source(%dma_start3A_41 : memref<4x8x1024xf32, #tpu.memory_space<hbm>>) target(%dma_start3A_38 : memref<4x8x1024xf32, #tpu.memory_space<vmem>>) target_semaphore(%dma_start3A_33 : memref<!tpu.dma_semaphore, #tpu.memory_space<semaphore_mem>>)
    %add3A_42 = arith.constant 8 : i32
    %add3A_43 = arith.addi %add3A_4, %add3A_42 : i32
    %dma_start3A_44 = arith.constant 1 : i32
    %dma_start3A_45 = arith.constant 1 : i32
    %dma_start3A_46 = arith.constant 0 : i32
    %dma_start3A_47 = arith.constant 0 : i32
    %dma_start3A_48 = tpu.memref_slice %arg5[%dma_start3A_44, %dma_start3A_46, %dma_start3A_47] : memref<2x8x1024xf32, #tpu.memory_space<vmem>> -> memref<1x8x1024xf32, #tpu.memory_space<vmem>>
    %dma_start3A_49 = tpu.memref_squeeze %dma_start3A_48 : memref<1x8x1024xf32, #tpu.memory_space<vmem>> -> memref<8x1024xf32, #tpu.memory_space<vmem>>
    %dma_start3A_50 = arith.constant 0 : i32
    %dma_start3A_51 = tpu.memref_slice %arg3[%add3A_43, %dma_start3A_50] : memref<4096x1024xf32, #tpu.memory_space<hbm>> -> memref<8x1024xf32, #tpu.memory_space<hbm>>
    %dma_start3A_52 = tpu.memref_slice %arg7[%dma_start3A_45] : memref<2x!tpu.dma_semaphore, #tpu.memory_space<semaphore_mem>> -> memref<1x!tpu.dma_semaphore, #tpu.memory_space<semaphore_mem>>
    %dma_start3A_53 = tpu.memref_squeeze %dma_start3A_52 : memref<1x!tpu.dma_semaphore, #tpu.memory_space<semaphore_mem>> -> memref<!tpu.dma_semaphore, #tpu.memory_space<semaphore_mem>>
    %dma_start3A_54 = arith.constant 0 : i32
    %dma_start3A_55 = arith.constant 0 : i32
    %dma_start3A_56 = tpu.memref_slice %arg5[%dma_start3A_44, %dma_start3A_54, %dma_start3A_55] : memref<2x8x1024xf32, #tpu.memory_space<vmem>> -> memref<1x8x1024xf32, #tpu.memory_space<vmem>>
    %dma_start3A_57 = tpu.memref_squeeze %dma_start3A_56 : memref<1x8x1024xf32, #tpu.memory_space<vmem>> -> memref<8x1024xf32, #tpu.memory_space<vmem>>
    %dma_start3A_58 = arith.constant 0 : i32
    %dma_start3A_59 = tpu.memref_slice %arg3[%add3A_43, %dma_start3A_58] : memref<4096x1024xf32, #tpu.memory_space<hbm>> -> memref<8x1024xf32, #tpu.memory_space<hbm>>
    tpu.enqueue_dma source(%dma_start3A_59 : memref<8x1024xf32, #tpu.memory_space<hbm>>) target(%dma_start3A_57 : memref<8x1024xf32, #tpu.memory_space<vmem>>) target_semaphore(%dma_start3A_53 : memref<!tpu.dma_semaphore, #tpu.memory_space<semaphore_mem>>)
    %dma_start3A_60 = arith.constant 1 : i32
    %dma_start3A_61 = arith.constant 1 : i32
    %dma_start3A_62 = arith.constant 0 : i32
    %dma_start3A_63 = arith.constant 0 : i32
    %dma_start3A_64 = arith.constant 0 : i32
    %dma_start3A_65 = tpu.memref_slice %arg6[%dma_start3A_60, %dma_start3A_62, %dma_start3A_63, %dma_start3A_64] : memref<2x4x8x1024xf32, #tpu.memory_space<vmem>> -> memref<1x4x8x1024xf32, #tpu.memory_space<vmem>>
    %dma_start3A_66 = tpu.memref_squeeze %dma_start3A_65 : memref<1x4x8x1024xf32, #tpu.memory_space<vmem>> -> memref<4x8x1024xf32, #tpu.memory_space<vmem>>
    %dma_start3A_67 = arith.constant 0 : i32
    %dma_start3A_68 = arith.constant 0 : i32
    %dma_start3A_69 = tpu.memref_slice %arg2[%dma_start3A_67, %add3A_43, %dma_start3A_68] : memref<4x4096x1024xf32, #tpu.memory_space<hbm>> -> memref<4x8x1024xf32, #tpu.memory_space<hbm>>
    %dma_start3A_70 = tpu.memref_slice %arg7[%dma_start3A_61] : memref<2x!tpu.dma_semaphore, #tpu.memory_space<semaphore_mem>> -> memref<1x!tpu.dma_semaphore, #tpu.memory_space<semaphore_mem>>
    %dma_start3A_71 = tpu.memref_squeeze %dma_start3A_70 : memref<1x!tpu.dma_semaphore, #tpu.memory_space<semaphore_mem>> -> memref<!tpu.dma_semaphore, #tpu.memory_space<semaphore_mem>>
    %dma_start3A_72 = arith.constant 0 : i32
    %dma_start3A_73 = arith.constant 0 : i32
    %dma_start3A_74 = arith.constant 0 : i32
    %dma_start3A_75 = tpu.memref_slice %arg6[%dma_start3A_60, %dma_start3A_72, %dma_start3A_73, %dma_start3A_74] : memref<2x4x8x1024xf32, #tpu.memory_space<vmem>> -> memref<1x4x8x1024xf32, #tpu.memory_space<vmem>>
    %dma_start3A_76 = tpu.memref_squeeze %dma_start3A_75 : memref<1x4x8x1024xf32, #tpu.memory_space<vmem>> -> memref<4x8x1024xf32, #tpu.memory_space<vmem>>
    %dma_start3A_77 = arith.constant 0 : i32
    %dma_start3A_78 = arith.constant 0 : i32
    %dma_start3A_79 = tpu.memref_slice %arg2[%dma_start3A_77, %add3A_43, %dma_start3A_78] : memref<4x4096x1024xf32, #tpu.memory_space<hbm>> -> memref<4x8x1024xf32, #tpu.memory_space<hbm>>
    tpu.enqueue_dma source(%dma_start3A_79 : memref<4x8x1024xf32, #tpu.memory_space<hbm>>) target(%dma_start3A_76 : memref<4x8x1024xf32, #tpu.memory_space<vmem>>) target_semaphore(%dma_start3A_71 : memref<!tpu.dma_semaphore, #tpu.memory_space<semaphore_mem>>)
    %scan3A = arith.constant 0 : i32
    %scan3A_80 = arith.constant 0 : i32
    %scan3A_81 = arith.constant 8 : i32
    %scan3A_82 = arith.addi %scan3A_80, %scan3A_81 : i32
    %scan3A_83 = arith.constant 1 : i32
    scf.for %scan3A_128 = %scan3A_80 to %scan3A_82 step %scan3A_83  : i32 {
      %mul3A_129 = arith.constant 2 : i32
      %mul3A_130 = arith.muli %scan3A_128, %mul3A_129 : i32
      %add3A_131 = arith.constant 0 : i32
      %add3A_132 = arith.addi %mul3A_130, %add3A_131 : i32
      %dma_wait3A_133 = arith.constant 0 : i32
      %dma_wait3A_134 = arith.constant 0 : i32
      %dma_wait3A_135 = arith.constant 0 : i32
      %dma_wait3A_136 = arith.constant 0 : i32
      %dma_wait3A_137 = tpu.memref_slice %arg5[%dma_wait3A_133, %dma_wait3A_135, %dma_wait3A_136] : memref<2x8x1024xf32, #tpu.memory_space<vmem>> -> memref<1x8x1024xf32, #tpu.memory_space<vmem>>
      %dma_wait3A_138 = tpu.memref_squeeze %dma_wait3A_137 : memref<1x8x1024xf32, #tpu.memory_space<vmem>> -> memref<8x1024xf32, #tpu.memory_space<vmem>>
      %dma_wait3A_139 = arith.constant 0 : i32
      %dma_wait3A_140 = arith.constant 0 : i32
      %dma_wait3A_141 = tpu.memref_slice %arg3[%dma_wait3A_139, %dma_wait3A_140] : memref<4096x1024xf32, #tpu.memory_space<hbm>> -> memref<8x1024xf32, #tpu.memory_space<hbm>>
      %dma_wait3A_142 = tpu.memref_slice %arg7[%dma_wait3A_134] : memref<2x!tpu.dma_semaphore, #tpu.memory_space<semaphore_mem>> -> memref<1x!tpu.dma_semaphore, #tpu.memory_space<semaphore_mem>>
      %dma_wait3A_143 = tpu.memref_squeeze %dma_wait3A_142 : memref<1x!tpu.dma_semaphore, #tpu.memory_space<semaphore_mem>> -> memref<!tpu.dma_semaphore, #tpu.memory_space<semaphore_mem>>
      %dma_wait3A_144 = arith.constant 0 : i32
      %dma_wait3A_145 = arith.constant 0 : i32
      %dma_wait3A_146 = tpu.memref_slice %arg5[%dma_wait3A_133, %dma_wait3A_144, %dma_wait3A_145] : memref<2x8x1024xf32, #tpu.memory_space<vmem>> -> memref<1x8x1024xf32, #tpu.memory_space<vmem>>
      %dma_wait3A_147 = tpu.memref_squeeze %dma_wait3A_146 : memref<1x8x1024xf32, #tpu.memory_space<vmem>> -> memref<8x1024xf32, #tpu.memory_space<vmem>>
      %dma_wait3A_148 = arith.constant 0 : i32
      %dma_wait3A_149 = arith.constant 0 : i32
      %dma_wait3A_150 = tpu.memref_slice %arg3[%dma_wait3A_148, %dma_wait3A_149] : memref<4096x1024xf32, #tpu.memory_space<hbm>> -> memref<8x1024xf32, #tpu.memory_space<hbm>>
      tpu.wait_dma2 semaphore(%dma_wait3A_143 : memref<!tpu.dma_semaphore, #tpu.memory_space<semaphore_mem>>) src(%dma_wait3A_150 : memref<8x1024xf32, #tpu.memory_space<hbm>>) dst(%dma_wait3A_147 : memref<8x1024xf32, #tpu.memory_space<vmem>>)
      %dma_wait3A_151 = arith.constant 0 : i32
      %dma_wait3A_152 = arith.constant 0 : i32
      %dma_wait3A_153 = arith.constant 0 : i32
      %dma_wait3A_154 = arith.constant 0 : i32
      %dma_wait3A_155 = arith.constant 0 : i32
      %dma_wait3A_156 = tpu.memref_slice %arg6[%dma_wait3A_151, %dma_wait3A_153, %dma_wait3A_154, %dma_wait3A_155] : memref<2x4x8x1024xf32, #tpu.memory_space<vmem>> -> memref<1x4x8x1024xf32, #tpu.memory_space<vmem>>
      %dma_wait3A_157 = tpu.memref_squeeze %dma_wait3A_156 : memref<1x4x8x1024xf32, #tpu.memory_space<vmem>> -> memref<4x8x1024xf32, #tpu.memory_space<vmem>>
      %dma_wait3A_158 = arith.constant 0 : i32
      %dma_wait3A_159 = arith.constant 0 : i32
      %dma_wait3A_160 = arith.constant 0 : i32
      %dma_wait3A_161 = tpu.memref_slice %arg2[%dma_wait3A_158, %dma_wait3A_159, %dma_wait3A_160] : memref<4x4096x1024xf32, #tpu.memory_space<hbm>> -> memref<4x8x1024xf32, #tpu.memory_space<hbm>>
      %dma_wait3A_162 = tpu.memref_slice %arg7[%dma_wait3A_152] : memref<2x!tpu.dma_semaphore, #tpu.memory_space<semaphore_mem>> -> memref<1x!tpu.dma_semaphore, #tpu.memory_space<semaphore_mem>>
      %dma_wait3A_163 = tpu.memref_squeeze %dma_wait3A_162 : memref<1x!tpu.dma_semaphore, #tpu.memory_space<semaphore_mem>> -> memref<!tpu.dma_semaphore, #tpu.memory_space<semaphore_mem>>
      %dma_wait3A_164 = arith.constant 0 : i32
      %dma_wait3A_165 = arith.constant 0 : i32
      %dma_wait3A_166 = arith.constant 0 : i32
      %dma_wait3A_167 = tpu.memref_slice %arg6[%dma_wait3A_151, %dma_wait3A_164, %dma_wait3A_165, %dma_wait3A_166] : memref<2x4x8x1024xf32, #tpu.memory_space<vmem>> -> memref<1x4x8x1024xf32, #tpu.memory_space<vmem>>
      %dma_wait3A_168 = tpu.memref_squeeze %dma_wait3A_167 : memref<1x4x8x1024xf32, #tpu.memory_space<vmem>> -> memref<4x8x1024xf32, #tpu.memory_space<vmem>>
      %dma_wait3A_169 = arith.constant 0 : i32
      %dma_wait3A_170 = arith.constant 0 : i32
      %dma_wait3A_171 = arith.constant 0 : i32
      %dma_wait3A_172 = tpu.memref_slice %arg2[%dma_wait3A_169, %dma_wait3A_170, %dma_wait3A_171] : memref<4x4096x1024xf32, #tpu.memory_space<hbm>> -> memref<4x8x1024xf32, #tpu.memory_space<hbm>>
      tpu.wait_dma2 semaphore(%dma_wait3A_163 : memref<!tpu.dma_semaphore, #tpu.memory_space<semaphore_mem>>) src(%dma_wait3A_172 : memref<4x8x1024xf32, #tpu.memory_space<hbm>>) dst(%dma_wait3A_168 : memref<4x8x1024xf32, #tpu.memory_space<vmem>>)
      %parallel_loop3A = arith.constant 0 : i32
      %parallel_loop3A_173 = arith.constant 512 : i32
      %parallel_loop3A_174 = arith.constant 1 : i32
      scf.for %parallel_loop3A_279 = %parallel_loop3A to %parallel_loop3A_173 step %parallel_loop3A_174  : i32 {
        %parallel_loop3A_280 = arith.constant 64 : i32
        %parallel_loop3A_281 = arith.divsi %parallel_loop3A_279, %parallel_loop3A_280 : i32
        %parallel_loop3A_282 = arith.constant 0 : i32
        %parallel_loop3A_283 = arith.cmpi sgt, %parallel_loop3A_279, %parallel_loop3A_282 : i32
        %parallel_loop3A_284 = arith.extui %parallel_loop3A_283 : i1 to i32
        %parallel_loop3A_285 = arith.constant 0 : i32
        %parallel_loop3A_286 = arith.cmpi slt, %parallel_loop3A_279, %parallel_loop3A_285 : i32
        %parallel_loop3A_287 = arith.extui %parallel_loop3A_286 : i1 to i32
        %parallel_loop3A_288 = arith.subi %parallel_loop3A_284, %parallel_loop3A_287 : i32
        %parallel_loop3A_289 = arith.constant 0 : i32
        %parallel_loop3A_290 = arith.cmpi sgt, %parallel_loop3A_280, %parallel_loop3A_289 : i32
        %parallel_loop3A_291 = arith.extui %parallel_loop3A_290 : i1 to i32
        %parallel_loop3A_292 = arith.constant 0 : i32
        %parallel_loop3A_293 = arith.cmpi slt, %parallel_loop3A_280, %parallel_loop3A_292 : i32
        %parallel_loop3A_294 = arith.extui %parallel_loop3A_293 : i1 to i32
        %parallel_loop3A_295 = arith.subi %parallel_loop3A_291, %parallel_loop3A_294 : i32
        %parallel_loop3A_296 = arith.cmpi ne, %parallel_loop3A_288, %parallel_loop3A_295 : i32
        %parallel_loop3A_297 = arith.remsi %parallel_loop3A_279, %parallel_loop3A_280 : i32
        %parallel_loop3A_298 = arith.constant 0 : i32
        %parallel_loop3A_299 = arith.cmpi ne, %parallel_loop3A_297, %parallel_loop3A_298 : i32
        %parallel_loop3A_300 = arith.andi %parallel_loop3A_296, %parallel_loop3A_299 : i1
        %parallel_loop3A_301 = arith.constant 1 : i32
        %parallel_loop3A_302 = arith.subi %parallel_loop3A_281, %parallel_loop3A_301 : i32
        %parallel_loop3A_303 = arith.select %parallel_loop3A_300, %parallel_loop3A_302, %parallel_loop3A_281 : i32
        %parallel_loop3A_304 = arith.constant 64 : i32
        %parallel_loop3A_305 = arith.muli %parallel_loop3A_303, %parallel_loop3A_304 : i32
        %parallel_loop3A_306 = arith.subi %parallel_loop3A_279, %parallel_loop3A_305 : i32
        %parallel_loop3A_307 = arith.constant 16 : i32
        %parallel_loop3A_308 = arith.muli %parallel_loop3A_306, %parallel_loop3A_307 : i32
        %parallel_loop3A_309 = arith.constant 0 : i32
        %parallel_loop3A_310 = arith.index_cast %parallel_loop3A_309 : i32 to index
        %parallel_loop3A_311 = arith.index_cast %parallel_loop3A_303 : i32 to index
        %parallel_loop3A_312 = arith.index_cast %parallel_loop3A_308 : i32 to index
        %parallel_loop3A_313 = tpu.vector_load %arg5[%parallel_loop3A_310, %parallel_loop3A_311, %parallel_loop3A_312] {strides = array<i32>} : memref<2x8x1024xf32, #tpu.memory_space<vmem>>, vector<1x1x16xf32>,
        %parallel_loop3A_314 = vector.shape_cast %parallel_loop3A_313 : vector<1x1x16xf32> to vector<16xf32>
        %parallel_loop3A_315 = arith.constant 0 : i32
        %parallel_loop3A_316 = arith.constant 0 : i32
        %parallel_loop3A_317 = arith.index_cast %parallel_loop3A_315 : i32 to index
        %parallel_loop3A_318 = arith.index_cast %parallel_loop3A_316 : i32 to index
        %parallel_loop3A_319 = arith.index_cast %parallel_loop3A_303 : i32 to index
        %parallel_loop3A_320 = arith.index_cast %parallel_loop3A_308 : i32 to index
        %parallel_loop3A_321 = tpu.vector_load %arg6[%parallel_loop3A_317, %parallel_loop3A_318, %parallel_loop3A_319, %parallel_loop3A_320] {strides = array<i32>} : memref<2x4x8x1024xf32, #tpu.memory_space<vmem>>, vector<1x1x1x16xf32>,
        %parallel_loop3A_322 = vector.shape_cast %parallel_loop3A_321 : vector<1x1x1x16xf32> to vector<16xf32>
        %parallel_loop3A_323 = vector.shape_cast %parallel_loop3A_314 : vector<16xf32> to vector<1x1x1x16xf32>
        tpu.vector_store %arg6[%parallel_loop3A_317, %parallel_loop3A_318, %parallel_loop3A_319, %parallel_loop3A_320], %parallel_loop3A_323 {add = true, strides = array<i32>} : memref<2x4x8x1024xf32, #tpu.memory_space<vmem>>, vector<1x1x1x16xf32>,
        %parallel_loop3A_324 = arith.constant 0 : i32
        %parallel_loop3A_325 = arith.constant 1 : i32
        %parallel_loop3A_326 = arith.index_cast %parallel_loop3A_324 : i32 to index
        %parallel_loop3A_327 = arith.index_cast %parallel_loop3A_325 : i32 to index
        %parallel_loop3A_328 = arith.index_cast %parallel_loop3A_303 : i32 to index
        %parallel_loop3A_329 = arith.index_cast %parallel_loop3A_308 : i32 to index
        %parallel_loop3A_330 = tpu.vector_load %arg6[%parallel_loop3A_326, %parallel_loop3A_327, %parallel_loop3A_328, %parallel_loop3A_329] {strides = array<i32>} : memref<2x4x8x1024xf32, #tpu.memory_space<vmem>>, vector<1x1x1x16xf32>,
        %parallel_loop3A_331 = vector.shape_cast %parallel_loop3A_330 : vector<1x1x1x16xf32> to vector<16xf32>
        %parallel_loop3A_332 = vector.shape_cast %parallel_loop3A_314 : vector<16xf32> to vector<1x1x1x16xf32>
        tpu.vector_store %arg6[%parallel_loop3A_326, %parallel_loop3A_327, %parallel_loop3A_328, %parallel_loop3A_329], %parallel_loop3A_332 {add = true, strides = array<i32>} : memref<2x4x8x1024xf32, #tpu.memory_space<vmem>>, vector<1x1x1x16xf32>,
        %parallel_loop3A_333 = arith.constant 0 : i32
        %parallel_loop3A_334 = arith.constant 2 : i32
        %parallel_loop3A_335 = arith.index_cast %parallel_loop3A_333 : i32 to index
        %parallel_loop3A_336 = arith.index_cast %parallel_loop3A_334 : i32 to index
        %parallel_loop3A_337 = arith.index_cast %parallel_loop3A_303 : i32 to index
        %parallel_loop3A_338 = arith.index_cast %parallel_loop3A_308 : i32 to index
        %parallel_loop3A_339 = tpu.vector_load %arg6[%parallel_loop3A_335, %parallel_loop3A_336, %parallel_loop3A_337, %parallel_loop3A_338] {strides = array<i32>} : memref<2x4x8x1024xf32, #tpu.memory_space<vmem>>, vector<1x1x1x16xf32>,
        %parallel_loop3A_340 = vector.shape_cast %parallel_loop3A_339 : vector<1x1x1x16xf32> to vector<16xf32>
        %parallel_loop3A_341 = vector.shape_cast %parallel_loop3A_314 : vector<16xf32> to vector<1x1x1x16xf32>
        tpu.vector_store %arg6[%parallel_loop3A_335, %parallel_loop3A_336, %parallel_loop3A_337, %parallel_loop3A_338], %parallel_loop3A_341 {add = true, strides = array<i32>} : memref<2x4x8x1024xf32, #tpu.memory_space<vmem>>, vector<1x1x1x16xf32>,
        %parallel_loop3A_342 = arith.constant 0 : i32
        %parallel_loop3A_343 = arith.constant 3 : i32
        %parallel_loop3A_344 = arith.index_cast %parallel_loop3A_342 : i32 to index
        %parallel_loop3A_345 = arith.index_cast %parallel_loop3A_343 : i32 to index
        %parallel_loop3A_346 = arith.index_cast %parallel_loop3A_303 : i32 to index
        %parallel_loop3A_347 = arith.index_cast %parallel_loop3A_308 : i32 to index
        %parallel_loop3A_348 = tpu.vector_load %arg6[%parallel_loop3A_344, %parallel_loop3A_345, %parallel_loop3A_346, %parallel_loop3A_347] {strides = array<i32>} : memref<2x4x8x1024xf32, #tpu.memory_space<vmem>>, vector<1x1x1x16xf32>,
        %parallel_loop3A_349 = vector.shape_cast %parallel_loop3A_348 : vector<1x1x1x16xf32> to vector<16xf32>
        %parallel_loop3A_350 = vector.shape_cast %parallel_loop3A_314 : vector<16xf32> to vector<1x1x1x16xf32>
        tpu.vector_store %arg6[%parallel_loop3A_344, %parallel_loop3A_345, %parallel_loop3A_346, %parallel_loop3A_347], %parallel_loop3A_350 {add = true, strides = array<i32>} : memref<2x4x8x1024xf32, #tpu.memory_space<vmem>>, vector<1x1x1x16xf32>,
      } {sc.loop_unroll_factor = 8 : i64, sc.parallel_access}
      %mul3A_175 = arith.constant 8 : i32
      %mul3A_176 = arith.muli %add3A_132, %mul3A_175 : i32
      %add3A_177 = arith.addi %add3A_4, %mul3A_176 : i32
      %dma_start3A_178 = arith.constant 0 : i32
      %dma_start3A_179 = arith.constant 0 : i32
      %dma_start3A_180 = arith.constant 0 : i32
      %dma_start3A_181 = arith.constant 0 : i32
      %dma_start3A_182 = arith.constant 0 : i32
      %dma_start3A_183 = tpu.memref_slice %arg6[%dma_start3A_178, %dma_start3A_180, %dma_start3A_181, %dma_start3A_182] : memref<2x4x8x1024xf32, #tpu.memory_space<vmem>> -> memref<1x4x8x1024xf32, #tpu.memory_space<vmem>>
      %dma_start3A_184 = tpu.memref_squeeze %dma_start3A_183 : memref<1x4x8x1024xf32, #tpu.memory_space<vmem>> -> memref<4x8x1024xf32, #tpu.memory_space<vmem>>
      %dma_start3A_185 = arith.constant 0 : i32
      %dma_start3A_186 = arith.constant 0 : i32
      %dma_start3A_187 = tpu.memref_slice %arg4[%dma_start3A_185, %add3A_177, %dma_start3A_186] : memref<4x4096x1024xf32, #tpu.memory_space<hbm>> -> memref<4x8x1024xf32, #tpu.memory_space<hbm>>
      %dma_start3A_188 = tpu.memref_slice %arg8[%dma_start3A_179] : memref<2x!tpu.dma_semaphore, #tpu.memory_space<semaphore_mem>> -> memref<1x!tpu.dma_semaphore, #tpu.memory_space<semaphore_mem>>
      %dma_start3A_189 = tpu.memref_squeeze %dma_start3A_188 : memref<1x!tpu.dma_semaphore, #tpu.memory_space<semaphore_mem>> -> memref<!tpu.dma_semaphore, #tpu.memory_space<semaphore_mem>>
      %dma_start3A_190 = arith.constant 0 : i32
      %dma_start3A_191 = arith.constant 0 : i32
      %dma_start3A_192 = tpu.memref_slice %arg4[%dma_start3A_190, %add3A_177, %dma_start3A_191] : memref<4x4096x1024xf32, #tpu.memory_space<hbm>> -> memref<4x8x1024xf32, #tpu.memory_space<hbm>>
      %dma_start3A_193 = arith.constant 0 : i32
      %dma_start3A_194 = arith.constant 0 : i32
      %dma_start3A_195 = arith.constant 0 : i32
      %dma_start3A_196 = tpu.memref_slice %arg6[%dma_start3A_178, %dma_start3A_193, %dma_start3A_194, %dma_start3A_195] : memref<2x4x8x1024xf32, #tpu.memory_space<vmem>> -> memref<1x4x8x1024xf32, #tpu.memory_space<vmem>>
      %dma_start3A_197 = tpu.memref_squeeze %dma_start3A_196 : memref<1x4x8x1024xf32, #tpu.memory_space<vmem>> -> memref<4x8x1024xf32, #tpu.memory_space<vmem>>
      tpu.enqueue_dma source(%dma_start3A_197 : memref<4x8x1024xf32, #tpu.memory_space<vmem>>) target(%dma_start3A_192 : memref<4x8x1024xf32, #tpu.memory_space<hbm>>) target_semaphore(%dma_start3A_189 : memref<!tpu.dma_semaphore, #tpu.memory_space<semaphore_mem>>)
      %add3A_198 = arith.constant 2 : i32
      %add3A_199 = arith.addi %add3A_132, %add3A_198 : i32
      %lt3A = arith.constant 16 : i32
      %lt3A_200 = arith.cmpi slt, %add3A_199, %lt3A : i32
      %convert_element_type3A = arith.extui %lt3A_200 : i1 to i32
      %cond3A = arith.constant 0 : i32
      %cond3A_201 = arith.cmpi ne, %convert_element_type3A, %cond3A : i32
      scf.if %cond3A_201 {
        %dma_wait3A_279 = arith.constant 0 : i32
        %dma_wait3A_280 = arith.constant 0 : i32
        %dma_wait3A_281 = arith.constant 0 : i32
        %dma_wait3A_282 = arith.constant 0 : i32
        %dma_wait3A_283 = arith.constant 0 : i32
        %dma_wait3A_284 = tpu.memref_slice %arg6[%dma_wait3A_279, %dma_wait3A_281, %dma_wait3A_282, %dma_wait3A_283] : memref<2x4x8x1024xf32, #tpu.memory_space<vmem>> -> memref<1x4x8x1024xf32, #tpu.memory_space<vmem>>
        %dma_wait3A_285 = tpu.memref_squeeze %dma_wait3A_284 : memref<1x4x8x1024xf32, #tpu.memory_space<vmem>> -> memref<4x8x1024xf32, #tpu.memory_space<vmem>>
        %dma_wait3A_286 = arith.constant 0 : i32
        %dma_wait3A_287 = arith.constant 0 : i32
        %dma_wait3A_288 = arith.constant 0 : i32
        %dma_wait3A_289 = tpu.memref_slice %arg4[%dma_wait3A_286, %dma_wait3A_287, %dma_wait3A_288] : memref<4x4096x1024xf32, #tpu.memory_space<hbm>> -> memref<4x8x1024xf32, #tpu.memory_space<hbm>>
        %dma_wait3A_290 = tpu.memref_slice %arg8[%dma_wait3A_280] : memref<2x!tpu.dma_semaphore, #tpu.memory_space<semaphore_mem>> -> memref<1x!tpu.dma_semaphore, #tpu.memory_space<semaphore_mem>>
        %dma_wait3A_291 = tpu.memref_squeeze %dma_wait3A_290 : memref<1x!tpu.dma_semaphore, #tpu.memory_space<semaphore_mem>> -> memref<!tpu.dma_semaphore, #tpu.memory_space<semaphore_mem>>
        %dma_wait3A_292 = arith.constant 0 : i32
        %dma_wait3A_293 = arith.constant 0 : i32
        %dma_wait3A_294 = arith.constant 0 : i32
        %dma_wait3A_295 = tpu.memref_slice %arg4[%dma_wait3A_292, %dma_wait3A_293, %dma_wait3A_294] : memref<4x4096x1024xf32, #tpu.memory_space<hbm>> -> memref<4x8x1024xf32, #tpu.memory_space<hbm>>
        %dma_wait3A_296 = arith.constant 0 : i32
        %dma_wait3A_297 = arith.constant 0 : i32
        %dma_wait3A_298 = arith.constant 0 : i32
        %dma_wait3A_299 = tpu.memref_slice %arg6[%dma_wait3A_279, %dma_wait3A_296, %dma_wait3A_297, %dma_wait3A_298] : memref<2x4x8x1024xf32, #tpu.memory_space<vmem>> -> memref<1x4x8x1024xf32, #tpu.memory_space<vmem>>
        %dma_wait3A_300 = tpu.memref_squeeze %dma_wait3A_299 : memref<1x4x8x1024xf32, #tpu.memory_space<vmem>> -> memref<4x8x1024xf32, #tpu.memory_space<vmem>>
        tpu.wait_dma2 semaphore(%dma_wait3A_291 : memref<!tpu.dma_semaphore, #tpu.memory_space<semaphore_mem>>) src(%dma_wait3A_300 : memref<4x8x1024xf32, #tpu.memory_space<vmem>>) dst(%dma_wait3A_295 : memref<4x8x1024xf32, #tpu.memory_space<hbm>>)
        %add3A_301 = arith.constant 2 : i32
        %add3A_302 = arith.addi %add3A_132, %add3A_301 : i32
        %mul3A_303 = arith.constant 8 : i32
        %mul3A_304 = arith.muli %add3A_302, %mul3A_303 : i32
        %add3A_305 = arith.addi %add3A_4, %mul3A_304 : i32
        %dma_start3A_306 = arith.constant 0 : i32
        %dma_start3A_307 = arith.constant 0 : i32
        %dma_start3A_308 = arith.constant 0 : i32
        %dma_start3A_309 = arith.constant 0 : i32
        %dma_start3A_310 = tpu.memref_slice %arg5[%dma_start3A_306, %dma_start3A_308, %dma_start3A_309] : memref<2x8x1024xf32, #tpu.memory_space<vmem>> -> memref<1x8x1024xf32, #tpu.memory_space<vmem>>
        %dma_start3A_311 = tpu.memref_squeeze %dma_start3A_310 : memref<1x8x1024xf32, #tpu.memory_space<vmem>> -> memref<8x1024xf32, #tpu.memory_space<vmem>>
        %dma_start3A_312 = arith.constant 0 : i32
        %dma_start3A_313 = tpu.memref_slice %arg3[%add3A_305, %dma_start3A_312] : memref<4096x1024xf32, #tpu.memory_space<hbm>> -> memref<8x1024xf32, #tpu.memory_space<hbm>>
        %dma_start3A_314 = tpu.memref_slice %arg7[%dma_start3A_307] : memref<2x!tpu.dma_semaphore, #tpu.memory_space<semaphore_mem>> -> memref<1x!tpu.dma_semaphore, #tpu.memory_space<semaphore_mem>>
        %dma_start3A_315 = tpu.memref_squeeze %dma_start3A_314 : memref<1x!tpu.dma_semaphore, #tpu.memory_space<semaphore_mem>> -> memref<!tpu.dma_semaphore, #tpu.memory_space<semaphore_mem>>
        %dma_start3A_316 = arith.constant 0 : i32
        %dma_start3A_317 = arith.constant 0 : i32
        %dma_start3A_318 = tpu.memref_slice %arg5[%dma_start3A_306, %dma_start3A_316, %dma_start3A_317] : memref<2x8x1024xf32, #tpu.memory_space<vmem>> -> memref<1x8x1024xf32, #tpu.memory_space<vmem>>
        %dma_start3A_319 = tpu.memref_squeeze %dma_start3A_318 : memref<1x8x1024xf32, #tpu.memory_space<vmem>> -> memref<8x1024xf32, #tpu.memory_space<vmem>>
        %dma_start3A_320 = arith.constant 0 : i32
        %dma_start3A_321 = tpu.memref_slice %arg3[%add3A_305, %dma_start3A_320] : memref<4096x1024xf32, #tpu.memory_space<hbm>> -> memref<8x1024xf32, #tpu.memory_space<hbm>>
        tpu.enqueue_dma source(%dma_start3A_321 : memref<8x1024xf32, #tpu.memory_space<hbm>>) target(%dma_start3A_319 : memref<8x1024xf32, #tpu.memory_space<vmem>>) target_semaphore(%dma_start3A_315 : memref<!tpu.dma_semaphore, #tpu.memory_space<semaphore_mem>>)
        %dma_start3A_322 = arith.constant 0 : i32
        %dma_start3A_323 = arith.constant 0 : i32
        %dma_start3A_324 = arith.constant 0 : i32
        %dma_start3A_325 = arith.constant 0 : i32
        %dma_start3A_326 = arith.constant 0 : i32
        %dma_start3A_327 = tpu.memref_slice %arg6[%dma_start3A_322, %dma_start3A_324, %dma_start3A_325, %dma_start3A_326] : memref<2x4x8x1024xf32, #tpu.memory_space<vmem>> -> memref<1x4x8x1024xf32, #tpu.memory_space<vmem>>
        %dma_start3A_328 = tpu.memref_squeeze %dma_start3A_327 : memref<1x4x8x1024xf32, #tpu.memory_space<vmem>> -> memref<4x8x1024xf32, #tpu.memory_space<vmem>>
        %dma_start3A_329 = arith.constant 0 : i32
        %dma_start3A_330 = arith.constant 0 : i32
        %dma_start3A_331 = tpu.memref_slice %arg2[%dma_start3A_329, %add3A_305, %dma_start3A_330] : memref<4x4096x1024xf32, #tpu.memory_space<hbm>> -> memref<4x8x1024xf32, #tpu.memory_space<hbm>>
        %dma_start3A_332 = tpu.memref_slice %arg7[%dma_start3A_323] : memref<2x!tpu.dma_semaphore, #tpu.memory_space<semaphore_mem>> -> memref<1x!tpu.dma_semaphore, #tpu.memory_space<semaphore_mem>>
        %dma_start3A_333 = tpu.memref_squeeze %dma_start3A_332 : memref<1x!tpu.dma_semaphore, #tpu.memory_space<semaphore_mem>> -> memref<!tpu.dma_semaphore, #tpu.memory_space<semaphore_mem>>
        %dma_start3A_334 = arith.constant 0 : i32
        %dma_start3A_335 = arith.constant 0 : i32
        %dma_start3A_336 = arith.constant 0 : i32
        %dma_start3A_337 = tpu.memref_slice %arg6[%dma_start3A_322, %dma_start3A_334, %dma_start3A_335, %dma_start3A_336] : memref<2x4x8x1024xf32, #tpu.memory_space<vmem>> -> memref<1x4x8x1024xf32, #tpu.memory_space<vmem>>
        %dma_start3A_338 = tpu.memref_squeeze %dma_start3A_337 : memref<1x4x8x1024xf32, #tpu.memory_space<vmem>> -> memref<4x8x1024xf32, #tpu.memory_space<vmem>>
        %dma_start3A_339 = arith.constant 0 : i32
        %dma_start3A_340 = arith.constant 0 : i32
        %dma_start3A_341 = tpu.memref_slice %arg2[%dma_start3A_339, %add3A_305, %dma_start3A_340] : memref<4x4096x1024xf32, #tpu.memory_space<hbm>> -> memref<4x8x1024xf32, #tpu.memory_space<hbm>>
        tpu.enqueue_dma source(%dma_start3A_341 : memref<4x8x1024xf32, #tpu.memory_space<hbm>>) target(%dma_start3A_338 : memref<4x8x1024xf32, #tpu.memory_space<vmem>>) target_semaphore(%dma_start3A_333 : memref<!tpu.dma_semaphore, #tpu.memory_space<semaphore_mem>>)
      } else {
      }
      %mul3A_202 = arith.constant 2 : i32
      %mul3A_203 = arith.muli %scan3A_128, %mul3A_202 : i32
      %add3A_204 = arith.constant 1 : i32
      %add3A_205 = arith.addi %mul3A_203, %add3A_204 : i32
      %dma_wait3A_206 = arith.constant 1 : i32
      %dma_wait3A_207 = arith.constant 1 : i32
      %dma_wait3A_208 = arith.constant 0 : i32
      %dma_wait3A_209 = arith.constant 0 : i32
      %dma_wait3A_210 = tpu.memref_slice %arg5[%dma_wait3A_206, %dma_wait3A_208, %dma_wait3A_209] : memref<2x8x1024xf32, #tpu.memory_space<vmem>> -> memref<1x8x1024xf32, #tpu.memory_space<vmem>>
      %dma_wait3A_211 = tpu.memref_squeeze %dma_wait3A_210 : memref<1x8x1024xf32, #tpu.memory_space<vmem>> -> memref<8x1024xf32, #tpu.memory_space<vmem>>
      %dma_wait3A_212 = arith.constant 0 : i32
      %dma_wait3A_213 = arith.constant 0 : i32
      %dma_wait3A_214 = tpu.memref_slice %arg3[%dma_wait3A_212, %dma_wait3A_213] : memref<4096x1024xf32, #tpu.memory_space<hbm>> -> memref<8x1024xf32, #tpu.memory_space<hbm>>
      %dma_wait3A_215 = tpu.memref_slice %arg7[%dma_wait3A_207] : memref<2x!tpu.dma_semaphore, #tpu.memory_space<semaphore_mem>> -> memref<1x!tpu.dma_semaphore, #tpu.memory_space<semaphore_mem>>
      %dma_wait3A_216 = tpu.memref_squeeze %dma_wait3A_215 : memref<1x!tpu.dma_semaphore, #tpu.memory_space<semaphore_mem>> -> memref<!tpu.dma_semaphore, #tpu.memory_space<semaphore_mem>>
      %dma_wait3A_217 = arith.constant 0 : i32
      %dma_wait3A_218 = arith.constant 0 : i32
      %dma_wait3A_219 = tpu.memref_slice %arg5[%dma_wait3A_206, %dma_wait3A_217, %dma_wait3A_218] : memref<2x8x1024xf32, #tpu.memory_space<vmem>> -> memref<1x8x1024xf32, #tpu.memory_space<vmem>>
      %dma_wait3A_220 = tpu.memref_squeeze %dma_wait3A_219 : memref<1x8x1024xf32, #tpu.memory_space<vmem>> -> memref<8x1024xf32, #tpu.memory_space<vmem>>
      %dma_wait3A_221 = arith.constant 0 : i32
      %dma_wait3A_222 = arith.constant 0 : i32
      %dma_wait3A_223 = tpu.memref_slice %arg3[%dma_wait3A_221, %dma_wait3A_222] : memref<4096x1024xf32, #tpu.memory_space<hbm>> -> memref<8x1024xf32, #tpu.memory_space<hbm>>
      tpu.wait_dma2 semaphore(%dma_wait3A_216 : memref<!tpu.dma_semaphore, #tpu.memory_space<semaphore_mem>>) src(%dma_wait3A_223 : memref<8x1024xf32, #tpu.memory_space<hbm>>) dst(%dma_wait3A_220 : memref<8x1024xf32, #tpu.memory_space<vmem>>)
      %dma_wait3A_224 = arith.constant 1 : i32
      %dma_wait3A_225 = arith.constant 1 : i32
      %dma_wait3A_226 = arith.constant 0 : i32
      %dma_wait3A_227 = arith.constant 0 : i32
      %dma_wait3A_228 = arith.constant 0 : i32
      %dma_wait3A_229 = tpu.memref_slice %arg6[%dma_wait3A_224, %dma_wait3A_226, %dma_wait3A_227, %dma_wait3A_228] : memref<2x4x8x1024xf32, #tpu.memory_space<vmem>> -> memref<1x4x8x1024xf32, #tpu.memory_space<vmem>>
      %dma_wait3A_230 = tpu.memref_squeeze %dma_wait3A_229 : memref<1x4x8x1024xf32, #tpu.memory_space<vmem>> -> memref<4x8x1024xf32, #tpu.memory_space<vmem>>
      %dma_wait3A_231 = arith.constant 0 : i32
      %dma_wait3A_232 = arith.constant 0 : i32
      %dma_wait3A_233 = arith.constant 0 : i32
      %dma_wait3A_234 = tpu.memref_slice %arg2[%dma_wait3A_231, %dma_wait3A_232, %dma_wait3A_233] : memref<4x4096x1024xf32, #tpu.memory_space<hbm>> -> memref<4x8x1024xf32, #tpu.memory_space<hbm>>
      %dma_wait3A_235 = tpu.memref_slice %arg7[%dma_wait3A_225] : memref<2x!tpu.dma_semaphore, #tpu.memory_space<semaphore_mem>> -> memref<1x!tpu.dma_semaphore, #tpu.memory_space<semaphore_mem>>
      %dma_wait3A_236 = tpu.memref_squeeze %dma_wait3A_235 : memref<1x!tpu.dma_semaphore, #tpu.memory_space<semaphore_mem>> -> memref<!tpu.dma_semaphore, #tpu.memory_space<semaphore_mem>>
      %dma_wait3A_237 = arith.constant 0 : i32
      %dma_wait3A_238 = arith.constant 0 : i32
      %dma_wait3A_239 = arith.constant 0 : i32
      %dma_wait3A_240 = tpu.memref_slice %arg6[%dma_wait3A_224, %dma_wait3A_237, %dma_wait3A_238, %dma_wait3A_239] : memref<2x4x8x1024xf32, #tpu.memory_space<vmem>> -> memref<1x4x8x1024xf32, #tpu.memory_space<vmem>>
      %dma_wait3A_241 = tpu.memref_squeeze %dma_wait3A_240 : memref<1x4x8x1024xf32, #tpu.memory_space<vmem>> -> memref<4x8x1024xf32, #tpu.memory_space<vmem>>
      %dma_wait3A_242 = arith.constant 0 : i32
      %dma_wait3A_243 = arith.constant 0 : i32
      %dma_wait3A_244 = arith.constant 0 : i32
      %dma_wait3A_245 = tpu.memref_slice %arg2[%dma_wait3A_242, %dma_wait3A_243, %dma_wait3A_244] : memref<4x4096x1024xf32, #tpu.memory_space<hbm>> -> memref<4x8x1024xf32, #tpu.memory_space<hbm>>
      tpu.wait_dma2 semaphore(%dma_wait3A_236 : memref<!tpu.dma_semaphore, #tpu.memory_space<semaphore_mem>>) src(%dma_wait3A_245 : memref<4x8x1024xf32, #tpu.memory_space<hbm>>) dst(%dma_wait3A_241 : memref<4x8x1024xf32, #tpu.memory_space<vmem>>)
      %parallel_loop3A_246 = arith.constant 0 : i32
      %parallel_loop3A_247 = arith.constant 512 : i32
      %parallel_loop3A_248 = arith.constant 1 : i32
      scf.for %parallel_loop3A_279 = %parallel_loop3A_246 to %parallel_loop3A_247 step %parallel_loop3A_248  : i32 {
        %parallel_loop3A_280 = arith.constant 64 : i32
        %parallel_loop3A_281 = arith.divsi %parallel_loop3A_279, %parallel_loop3A_280 : i32
        %parallel_loop3A_282 = arith.constant 0 : i32
        %parallel_loop3A_283 = arith.cmpi sgt, %parallel_loop3A_279, %parallel_loop3A_282 : i32
        %parallel_loop3A_284 = arith.extui %parallel_loop3A_283 : i1 to i32
        %parallel_loop3A_285 = arith.constant 0 : i32
        %parallel_loop3A_286 = arith.cmpi slt, %parallel_loop3A_279, %parallel_loop3A_285 : i32
        %parallel_loop3A_287 = arith.extui %parallel_loop3A_286 : i1 to i32
        %parallel_loop3A_288 = arith.subi %parallel_loop3A_284, %parallel_loop3A_287 : i32
        %parallel_loop3A_289 = arith.constant 0 : i32
        %parallel_loop3A_290 = arith.cmpi sgt, %parallel_loop3A_280, %parallel_loop3A_289 : i32
        %parallel_loop3A_291 = arith.extui %parallel_loop3A_290 : i1 to i32
        %parallel_loop3A_292 = arith.constant 0 : i32
        %parallel_loop3A_293 = arith.cmpi slt, %parallel_loop3A_280, %parallel_loop3A_292 : i32
        %parallel_loop3A_294 = arith.extui %parallel_loop3A_293 : i1 to i32
        %parallel_loop3A_295 = arith.subi %parallel_loop3A_291, %parallel_loop3A_294 : i32
        %parallel_loop3A_296 = arith.cmpi ne, %parallel_loop3A_288, %parallel_loop3A_295 : i32
        %parallel_loop3A_297 = arith.remsi %parallel_loop3A_279, %parallel_loop3A_280 : i32
        %parallel_loop3A_298 = arith.constant 0 : i32
        %parallel_loop3A_299 = arith.cmpi ne, %parallel_loop3A_297, %parallel_loop3A_298 : i32
        %parallel_loop3A_300 = arith.andi %parallel_loop3A_296, %parallel_loop3A_299 : i1
        %parallel_loop3A_301 = arith.constant 1 : i32
        %parallel_loop3A_302 = arith.subi %parallel_loop3A_281, %parallel_loop3A_301 : i32
        %parallel_loop3A_303 = arith.select %parallel_loop3A_300, %parallel_loop3A_302, %parallel_loop3A_281 : i32
        %parallel_loop3A_304 = arith.constant 64 : i32
        %parallel_loop3A_305 = arith.muli %parallel_loop3A_303, %parallel_loop3A_304 : i32
        %parallel_loop3A_306 = arith.subi %parallel_loop3A_279, %parallel_loop3A_305 : i32
        %parallel_loop3A_307 = arith.constant 16 : i32
        %parallel_loop3A_308 = arith.muli %parallel_loop3A_306, %parallel_loop3A_307 : i32
        %parallel_loop3A_309 = arith.constant 1 : i32
        %parallel_loop3A_310 = arith.index_cast %parallel_loop3A_309 : i32 to index
        %parallel_loop3A_311 = arith.index_cast %parallel_loop3A_303 : i32 to index
        %parallel_loop3A_312 = arith.index_cast %parallel_loop3A_308 : i32 to index
        %parallel_loop3A_313 = tpu.vector_load %arg5[%parallel_loop3A_310, %parallel_loop3A_311, %parallel_loop3A_312] {strides = array<i32>} : memref<2x8x1024xf32, #tpu.memory_space<vmem>>, vector<1x1x16xf32>,
        %parallel_loop3A_314 = vector.shape_cast %parallel_loop3A_313 : vector<1x1x16xf32> to vector<16xf32>
        %parallel_loop3A_315 = arith.constant 1 : i32
        %parallel_loop3A_316 = arith.constant 0 : i32
        %parallel_loop3A_317 = arith.index_cast %parallel_loop3A_315 : i32 to index
        %parallel_loop3A_318 = arith.index_cast %parallel_loop3A_316 : i32 to index
        %parallel_loop3A_319 = arith.index_cast %parallel_loop3A_303 : i32 to index
        %parallel_loop3A_320 = arith.index_cast %parallel_loop3A_308 : i32 to index
        %parallel_loop3A_321 = tpu.vector_load %arg6[%parallel_loop3A_317, %parallel_loop3A_318, %parallel_loop3A_319, %parallel_loop3A_320] {strides = array<i32>} : memref<2x4x8x1024xf32, #tpu.memory_space<vmem>>, vector<1x1x1x16xf32>,
        %parallel_loop3A_322 = vector.shape_cast %parallel_loop3A_321 : vector<1x1x1x16xf32> to vector<16xf32>
        %parallel_loop3A_323 = vector.shape_cast %parallel_loop3A_314 : vector<16xf32> to vector<1x1x1x16xf32>
        tpu.vector_store %arg6[%parallel_loop3A_317, %parallel_loop3A_318, %parallel_loop3A_319, %parallel_loop3A_320], %parallel_loop3A_323 {add = true, strides = array<i32>} : memref<2x4x8x1024xf32, #tpu.memory_space<vmem>>, vector<1x1x1x16xf32>,
        %parallel_loop3A_324 = arith.constant 1 : i32
        %parallel_loop3A_325 = arith.constant 1 : i32
        %parallel_loop3A_326 = arith.index_cast %parallel_loop3A_324 : i32 to index
        %parallel_loop3A_327 = arith.index_cast %parallel_loop3A_325 : i32 to index
        %parallel_loop3A_328 = arith.index_cast %parallel_loop3A_303 : i32 to index
        %parallel_loop3A_329 = arith.index_cast %parallel_loop3A_308 : i32 to index
        %parallel_loop3A_330 = tpu.vector_load %arg6[%parallel_loop3A_326, %parallel_loop3A_327, %parallel_loop3A_328, %parallel_loop3A_329] {strides = array<i32>} : memref<2x4x8x1024xf32, #tpu.memory_space<vmem>>, vector<1x1x1x16xf32>,
        %parallel_loop3A_331 = vector.shape_cast %parallel_loop3A_330 : vector<1x1x1x16xf32> to vector<16xf32>
        %parallel_loop3A_332 = vector.shape_cast %parallel_loop3A_314 : vector<16xf32> to vector<1x1x1x16xf32>
        tpu.vector_store %arg6[%parallel_loop3A_326, %parallel_loop3A_327, %parallel_loop3A_328, %parallel_loop3A_329], %parallel_loop3A_332 {add = true, strides = array<i32>} : memref<2x4x8x1024xf32, #tpu.memory_space<vmem>>, vector<1x1x1x16xf32>,
        %parallel_loop3A_333 = arith.constant 1 : i32
        %parallel_loop3A_334 = arith.constant 2 : i32
        %parallel_loop3A_335 = arith.index_cast %parallel_loop3A_333 : i32 to index
        %parallel_loop3A_336 = arith.index_cast %parallel_loop3A_334 : i32 to index
        %parallel_loop3A_337 = arith.index_cast %parallel_loop3A_303 : i32 to index
        %parallel_loop3A_338 = arith.index_cast %parallel_loop3A_308 : i32 to index
        %parallel_loop3A_339 = tpu.vector_load %arg6[%parallel_loop3A_335, %parallel_loop3A_336, %parallel_loop3A_337, %parallel_loop3A_338] {strides = array<i32>} : memref<2x4x8x1024xf32, #tpu.memory_space<vmem>>, vector<1x1x1x16xf32>,
        %parallel_loop3A_340 = vector.shape_cast %parallel_loop3A_339 : vector<1x1x1x16xf32> to vector<16xf32>
        %parallel_loop3A_341 = vector.shape_cast %parallel_loop3A_314 : vector<16xf32> to vector<1x1x1x16xf32>
        tpu.vector_store %arg6[%parallel_loop3A_335, %parallel_loop3A_336, %parallel_loop3A_337, %parallel_loop3A_338], %parallel_loop3A_341 {add = true, strides = array<i32>} : memref<2x4x8x1024xf32, #tpu.memory_space<vmem>>, vector<1x1x1x16xf32>,
        %parallel_loop3A_342 = arith.constant 1 : i32
        %parallel_loop3A_343 = arith.constant 3 : i32
        %parallel_loop3A_344 = arith.index_cast %parallel_loop3A_342 : i32 to index
        %parallel_loop3A_345 = arith.index_cast %parallel_loop3A_343 : i32 to index
        %parallel_loop3A_346 = arith.index_cast %parallel_loop3A_303 : i32 to index
        %parallel_loop3A_347 = arith.index_cast %parallel_loop3A_308 : i32 to index
        %parallel_loop3A_348 = tpu.vector_load %arg6[%parallel_loop3A_344, %parallel_loop3A_345, %parallel_loop3A_346, %parallel_loop3A_347] {strides = array<i32>} : memref<2x4x8x1024xf32, #tpu.memory_space<vmem>>, vector<1x1x1x16xf32>,
        %parallel_loop3A_349 = vector.shape_cast %parallel_loop3A_348 : vector<1x1x1x16xf32> to vector<16xf32>
        %parallel_loop3A_350 = vector.shape_cast %parallel_loop3A_314 : vector<16xf32> to vector<1x1x1x16xf32>
        tpu.vector_store %arg6[%parallel_loop3A_344, %parallel_loop3A_345, %parallel_loop3A_346, %parallel_loop3A_347], %parallel_loop3A_350 {add = true, strides = array<i32>} : memref<2x4x8x1024xf32, #tpu.memory_space<vmem>>, vector<1x1x1x16xf32>,
      } {sc.loop_unroll_factor = 8 : i64, sc.parallel_access}
      %mul3A_249 = arith.constant 8 : i32
      %mul3A_250 = arith.muli %add3A_205, %mul3A_249 : i32
      %add3A_251 = arith.addi %add3A_4, %mul3A_250 : i32
      %dma_start3A_252 = arith.constant 1 : i32
      %dma_start3A_253 = arith.constant 1 : i32
      %dma_start3A_254 = arith.constant 0 : i32
      %dma_start3A_255 = arith.constant 0 : i32
      %dma_start3A_256 = arith.constant 0 : i32
      %dma_start3A_257 = tpu.memref_slice %arg6[%dma_start3A_252, %dma_start3A_254, %dma_start3A_255, %dma_start3A_256] : memref<2x4x8x1024xf32, #tpu.memory_space<vmem>> -> memref<1x4x8x1024xf32, #tpu.memory_space<vmem>>
      %dma_start3A_258 = tpu.memref_squeeze %dma_start3A_257 : memref<1x4x8x1024xf32, #tpu.memory_space<vmem>> -> memref<4x8x1024xf32, #tpu.memory_space<vmem>>
      %dma_start3A_259 = arith.constant 0 : i32
      %dma_start3A_260 = arith.constant 0 : i32
      %dma_start3A_261 = tpu.memref_slice %arg4[%dma_start3A_259, %add3A_251, %dma_start3A_260] : memref<4x4096x1024xf32, #tpu.memory_space<hbm>> -> memref<4x8x1024xf32, #tpu.memory_space<hbm>>
      %dma_start3A_262 = tpu.memref_slice %arg8[%dma_start3A_253] : memref<2x!tpu.dma_semaphore, #tpu.memory_space<semaphore_mem>> -> memref<1x!tpu.dma_semaphore, #tpu.memory_space<semaphore_mem>>
      %dma_start3A_263 = tpu.memref_squeeze %dma_start3A_262 : memref<1x!tpu.dma_semaphore, #tpu.memory_space<semaphore_mem>> -> memref<!tpu.dma_semaphore, #tpu.memory_space<semaphore_mem>>
      %dma_start3A_264 = arith.constant 0 : i32
      %dma_start3A_265 = arith.constant 0 : i32
      %dma_start3A_266 = tpu.memref_slice %arg4[%dma_start3A_264, %add3A_251, %dma_start3A_265] : memref<4x4096x1024xf32, #tpu.memory_space<hbm>> -> memref<4x8x1024xf32, #tpu.memory_space<hbm>>
      %dma_start3A_267 = arith.constant 0 : i32
      %dma_start3A_268 = arith.constant 0 : i32
      %dma_start3A_269 = arith.constant 0 : i32
      %dma_start3A_270 = tpu.memref_slice %arg6[%dma_start3A_252, %dma_start3A_267, %dma_start3A_268, %dma_start3A_269] : memref<2x4x8x1024xf32, #tpu.memory_space<vmem>> -> memref<1x4x8x1024xf32, #tpu.memory_space<vmem>>
      %dma_start3A_271 = tpu.memref_squeeze %dma_start3A_270 : memref<1x4x8x1024xf32, #tpu.memory_space<vmem>> -> memref<4x8x1024xf32, #tpu.memory_space<vmem>>
      tpu.enqueue_dma source(%dma_start3A_271 : memref<4x8x1024xf32, #tpu.memory_space<vmem>>) target(%dma_start3A_266 : memref<4x8x1024xf32, #tpu.memory_space<hbm>>) target_semaphore(%dma_start3A_263 : memref<!tpu.dma_semaphore, #tpu.memory_space<semaphore_mem>>)
      %add3A_272 = arith.constant 2 : i32
      %add3A_273 = arith.addi %add3A_205, %add3A_272 : i32
      %lt3A_274 = arith.constant 16 : i32
      %lt3A_275 = arith.cmpi slt, %add3A_273, %lt3A_274 : i32
      %convert_element_type3A_276 = arith.extui %lt3A_275 : i1 to i32
      %cond3A_277 = arith.constant 0 : i32
      %cond3A_278 = arith.cmpi ne, %convert_element_type3A_276, %cond3A_277 : i32
      scf.if %cond3A_278 {
        %dma_wait3A_279 = arith.constant 1 : i32
        %dma_wait3A_280 = arith.constant 1 : i32
        %dma_wait3A_281 = arith.constant 0 : i32
        %dma_wait3A_282 = arith.constant 0 : i32
        %dma_wait3A_283 = arith.constant 0 : i32
        %dma_wait3A_284 = tpu.memref_slice %arg6[%dma_wait3A_279, %dma_wait3A_281, %dma_wait3A_282, %dma_wait3A_283] : memref<2x4x8x1024xf32, #tpu.memory_space<vmem>> -> memref<1x4x8x1024xf32, #tpu.memory_space<vmem>>
        %dma_wait3A_285 = tpu.memref_squeeze %dma_wait3A_284 : memref<1x4x8x1024xf32, #tpu.memory_space<vmem>> -> memref<4x8x1024xf32, #tpu.memory_space<vmem>>
        %dma_wait3A_286 = arith.constant 0 : i32
        %dma_wait3A_287 = arith.constant 0 : i32
        %dma_wait3A_288 = arith.constant 0 : i32
        %dma_wait3A_289 = tpu.memref_slice %arg4[%dma_wait3A_286, %dma_wait3A_287, %dma_wait3A_288] : memref<4x4096x1024xf32, #tpu.memory_space<hbm>> -> memref<4x8x1024xf32, #tpu.memory_space<hbm>>
        %dma_wait3A_290 = tpu.memref_slice %arg8[%dma_wait3A_280] : memref<2x!tpu.dma_semaphore, #tpu.memory_space<semaphore_mem>> -> memref<1x!tpu.dma_semaphore, #tpu.memory_space<semaphore_mem>>
        %dma_wait3A_291 = tpu.memref_squeeze %dma_wait3A_290 : memref<1x!tpu.dma_semaphore, #tpu.memory_space<semaphore_mem>> -> memref<!tpu.dma_semaphore, #tpu.memory_space<semaphore_mem>>
        %dma_wait3A_292 = arith.constant 0 : i32
        %dma_wait3A_293 = arith.constant 0 : i32
        %dma_wait3A_294 = arith.constant 0 : i32
        %dma_wait3A_295 = tpu.memref_slice %arg4[%dma_wait3A_292, %dma_wait3A_293, %dma_wait3A_294] : memref<4x4096x1024xf32, #tpu.memory_space<hbm>> -> memref<4x8x1024xf32, #tpu.memory_space<hbm>>
        %dma_wait3A_296 = arith.constant 0 : i32
        %dma_wait3A_297 = arith.constant 0 : i32
        %dma_wait3A_298 = arith.constant 0 : i32
        %dma_wait3A_299 = tpu.memref_slice %arg6[%dma_wait3A_279, %dma_wait3A_296, %dma_wait3A_297, %dma_wait3A_298] : memref<2x4x8x1024xf32, #tpu.memory_space<vmem>> -> memref<1x4x8x1024xf32, #tpu.memory_space<vmem>>
        %dma_wait3A_300 = tpu.memref_squeeze %dma_wait3A_299 : memref<1x4x8x1024xf32, #tpu.memory_space<vmem>> -> memref<4x8x1024xf32, #tpu.memory_space<vmem>>
        tpu.wait_dma2 semaphore(%dma_wait3A_291 : memref<!tpu.dma_semaphore, #tpu.memory_space<semaphore_mem>>) src(%dma_wait3A_300 : memref<4x8x1024xf32, #tpu.memory_space<vmem>>) dst(%dma_wait3A_295 : memref<4x8x1024xf32, #tpu.memory_space<hbm>>)
        %add3A_301 = arith.constant 2 : i32
        %add3A_302 = arith.addi %add3A_205, %add3A_301 : i32
        %mul3A_303 = arith.constant 8 : i32
        %mul3A_304 = arith.muli %add3A_302, %mul3A_303 : i32
        %add3A_305 = arith.addi %add3A_4, %mul3A_304 : i32
        %dma_start3A_306 = arith.constant 1 : i32
        %dma_start3A_307 = arith.constant 1 : i32
        %dma_start3A_308 = arith.constant 0 : i32
        %dma_start3A_309 = arith.constant 0 : i32
        %dma_start3A_310 = tpu.memref_slice %arg5[%dma_start3A_306, %dma_start3A_308, %dma_start3A_309] : memref<2x8x1024xf32, #tpu.memory_space<vmem>> -> memref<1x8x1024xf32, #tpu.memory_space<vmem>>
        %dma_start3A_311 = tpu.memref_squeeze %dma_start3A_310 : memref<1x8x1024xf32, #tpu.memory_space<vmem>> -> memref<8x1024xf32, #tpu.memory_space<vmem>>
        %dma_start3A_312 = arith.constant 0 : i32
        %dma_start3A_313 = tpu.memref_slice %arg3[%add3A_305, %dma_start3A_312] : memref<4096x1024xf32, #tpu.memory_space<hbm>> -> memref<8x1024xf32, #tpu.memory_space<hbm>>
        %dma_start3A_314 = tpu.memref_slice %arg7[%dma_start3A_307] : memref<2x!tpu.dma_semaphore, #tpu.memory_space<semaphore_mem>> -> memref<1x!tpu.dma_semaphore, #tpu.memory_space<semaphore_mem>>
        %dma_start3A_315 = tpu.memref_squeeze %dma_start3A_314 : memref<1x!tpu.dma_semaphore, #tpu.memory_space<semaphore_mem>> -> memref<!tpu.dma_semaphore, #tpu.memory_space<semaphore_mem>>
        %dma_start3A_316 = arith.constant 0 : i32
        %dma_start3A_317 = arith.constant 0 : i32
        %dma_start3A_318 = tpu.memref_slice %arg5[%dma_start3A_306, %dma_start3A_316, %dma_start3A_317] : memref<2x8x1024xf32, #tpu.memory_space<vmem>> -> memref<1x8x1024xf32, #tpu.memory_space<vmem>>
        %dma_start3A_319 = tpu.memref_squeeze %dma_start3A_318 : memref<1x8x1024xf32, #tpu.memory_space<vmem>> -> memref<8x1024xf32, #tpu.memory_space<vmem>>
        %dma_start3A_320 = arith.constant 0 : i32
        %dma_start3A_321 = tpu.memref_slice %arg3[%add3A_305, %dma_start3A_320] : memref<4096x1024xf32, #tpu.memory_space<hbm>> -> memref<8x1024xf32, #tpu.memory_space<hbm>>
        tpu.enqueue_dma source(%dma_start3A_321 : memref<8x1024xf32, #tpu.memory_space<hbm>>) target(%dma_start3A_319 : memref<8x1024xf32, #tpu.memory_space<vmem>>) target_semaphore(%dma_start3A_315 : memref<!tpu.dma_semaphore, #tpu.memory_space<semaphore_mem>>)
        %dma_start3A_322 = arith.constant 1 : i32
        %dma_start3A_323 = arith.constant 1 : i32
        %dma_start3A_324 = arith.constant 0 : i32
        %dma_start3A_325 = arith.constant 0 : i32
        %dma_start3A_326 = arith.constant 0 : i32
        %dma_start3A_327 = tpu.memref_slice %arg6[%dma_start3A_322, %dma_start3A_324, %dma_start3A_325, %dma_start3A_326] : memref<2x4x8x1024xf32, #tpu.memory_space<vmem>> -> memref<1x4x8x1024xf32, #tpu.memory_space<vmem>>
        %dma_start3A_328 = tpu.memref_squeeze %dma_start3A_327 : memref<1x4x8x1024xf32, #tpu.memory_space<vmem>> -> memref<4x8x1024xf32, #tpu.memory_space<vmem>>
        %dma_start3A_329 = arith.constant 0 : i32
        %dma_start3A_330 = arith.constant 0 : i32
        %dma_start3A_331 = tpu.memref_slice %arg2[%dma_start3A_329, %add3A_305, %dma_start3A_330] : memref<4x4096x1024xf32, #tpu.memory_space<hbm>> -> memref<4x8x1024xf32, #tpu.memory_space<hbm>>
        %dma_start3A_332 = tpu.memref_slice %arg7[%dma_start3A_323] : memref<2x!tpu.dma_semaphore, #tpu.memory_space<semaphore_mem>> -> memref<1x!tpu.dma_semaphore, #tpu.memory_space<semaphore_mem>>
        %dma_start3A_333 = tpu.memref_squeeze %dma_start3A_332 : memref<1x!tpu.dma_semaphore, #tpu.memory_space<semaphore_mem>> -> memref<!tpu.dma_semaphore, #tpu.memory_space<semaphore_mem>>
        %dma_start3A_334 = arith.constant 0 : i32
        %dma_start3A_335 = arith.constant 0 : i32
        %dma_start3A_336 = arith.constant 0 : i32
        %dma_start3A_337 = tpu.memref_slice %arg6[%dma_start3A_322, %dma_start3A_334, %dma_start3A_335, %dma_start3A_336] : memref<2x4x8x1024xf32, #tpu.memory_space<vmem>> -> memref<1x4x8x1024xf32, #tpu.memory_space<vmem>>
        %dma_start3A_338 = tpu.memref_squeeze %dma_start3A_337 : memref<1x4x8x1024xf32, #tpu.memory_space<vmem>> -> memref<4x8x1024xf32, #tpu.memory_space<vmem>>
        %dma_start3A_339 = arith.constant 0 : i32
        %dma_start3A_340 = arith.constant 0 : i32
        %dma_start3A_341 = tpu.memref_slice %arg2[%dma_start3A_339, %add3A_305, %dma_start3A_340] : memref<4x4096x1024xf32, #tpu.memory_space<hbm>> -> memref<4x8x1024xf32, #tpu.memory_space<hbm>>
        tpu.enqueue_dma source(%dma_start3A_341 : memref<4x8x1024xf32, #tpu.memory_space<hbm>>) target(%dma_start3A_338 : memref<4x8x1024xf32, #tpu.memory_space<vmem>>) target_semaphore(%dma_start3A_333 : memref<!tpu.dma_semaphore, #tpu.memory_space<semaphore_mem>>)
      } else {
      }
    }
    %scan3A_84 = arith.constant 8 : i32
    %dma_wait3A = arith.constant 0 : i32
    %dma_wait3A_85 = arith.constant 0 : i32
    %dma_wait3A_86 = arith.constant 0 : i32
    %dma_wait3A_87 = arith.constant 0 : i32
    %dma_wait3A_88 = arith.constant 0 : i32
    %dma_wait3A_89 = tpu.memref_slice %arg6[%dma_wait3A, %dma_wait3A_86, %dma_wait3A_87, %dma_wait3A_88] : memref<2x4x8x1024xf32, #tpu.memory_space<vmem>> -> memref<1x4x8x1024xf32, #tpu.memory_space<vmem>>
    %dma_wait3A_90 = tpu.memref_squeeze %dma_wait3A_89 : memref<1x4x8x1024xf32, #tpu.memory_space<vmem>> -> memref<4x8x1024xf32, #tpu.memory_space<vmem>>
    %dma_wait3A_91 = arith.constant 0 : i32
    %dma_wait3A_92 = arith.constant 0 : i32
    %dma_wait3A_93 = arith.constant 0 : i32
    %dma_wait3A_94 = tpu.memref_slice %arg4[%dma_wait3A_91, %dma_wait3A_92, %dma_wait3A_93] : memref<4x4096x1024xf32, #tpu.memory_space<hbm>> -> memref<4x8x1024xf32, #tpu.memory_space<hbm>>
    %dma_wait3A_95 = tpu.memref_slice %arg8[%dma_wait3A_85] : memref<2x!tpu.dma_semaphore, #tpu.memory_space<semaphore_mem>> -> memref<1x!tpu.dma_semaphore, #tpu.memory_space<semaphore_mem>>
    %dma_wait3A_96 = tpu.memref_squeeze %dma_wait3A_95 : memref<1x!tpu.dma_semaphore, #tpu.memory_space<semaphore_mem>> -> memref<!tpu.dma_semaphore, #tpu.memory_space<semaphore_mem>>
    %dma_wait3A_97 = arith.constant 0 : i32
    %dma_wait3A_98 = arith.constant 0 : i32
    %dma_wait3A_99 = arith.constant 0 : i32
    %dma_wait3A_100 = tpu.memref_slice %arg4[%dma_wait3A_97, %dma_wait3A_98, %dma_wait3A_99] : memref<4x4096x1024xf32, #tpu.memory_space<hbm>> -> memref<4x8x1024xf32, #tpu.memory_space<hbm>>
    %dma_wait3A_101 = arith.constant 0 : i32
    %dma_wait3A_102 = arith.constant 0 : i32
    %dma_wait3A_103 = arith.constant 0 : i32
    %dma_wait3A_104 = tpu.memref_slice %arg6[%dma_wait3A, %dma_wait3A_101, %dma_wait3A_102, %dma_wait3A_103] : memref<2x4x8x1024xf32, #tpu.memory_space<vmem>> -> memref<1x4x8x1024xf32, #tpu.memory_space<vmem>>
    %dma_wait3A_105 = tpu.memref_squeeze %dma_wait3A_104 : memref<1x4x8x1024xf32, #tpu.memory_space<vmem>> -> memref<4x8x1024xf32, #tpu.memory_space<vmem>>
    tpu.wait_dma2 semaphore(%dma_wait3A_96 : memref<!tpu.dma_semaphore, #tpu.memory_space<semaphore_mem>>) src(%dma_wait3A_105 : memref<4x8x1024xf32, #tpu.memory_space<vmem>>) dst(%dma_wait3A_100 : memref<4x8x1024xf32, #tpu.memory_space<hbm>>)
    %dma_wait3A_106 = arith.constant 1 : i32
    %dma_wait3A_107 = arith.constant 1 : i32
    %dma_wait3A_108 = arith.constant 0 : i32
    %dma_wait3A_109 = arith.constant 0 : i32
    %dma_wait3A_110 = arith.constant 0 : i32
    %dma_wait3A_111 = tpu.memref_slice %arg6[%dma_wait3A_106, %dma_wait3A_108, %dma_wait3A_109, %dma_wait3A_110] : memref<2x4x8x1024xf32, #tpu.memory_space<vmem>> -> memref<1x4x8x1024xf32, #tpu.memory_space<vmem>>
    %dma_wait3A_112 = tpu.memref_squeeze %dma_wait3A_111 : memref<1x4x8x1024xf32, #tpu.memory_space<vmem>> -> memref<4x8x1024xf32, #tpu.memory_space<vmem>>
    %dma_wait3A_113 = arith.constant 0 : i32
    %dma_wait3A_114 = arith.constant 0 : i32
    %dma_wait3A_115 = arith.constant 0 : i32
    %dma_wait3A_116 = tpu.memref_slice %arg4[%dma_wait3A_113, %dma_wait3A_114, %dma_wait3A_115] : memref<4x4096x1024xf32, #tpu.memory_space<hbm>> -> memref<4x8x1024xf32, #tpu.memory_space<hbm>>
    %dma_wait3A_117 = tpu.memref_slice %arg8[%dma_wait3A_107] : memref<2x!tpu.dma_semaphore, #tpu.memory_space<semaphore_mem>> -> memref<1x!tpu.dma_semaphore, #tpu.memory_space<semaphore_mem>>
    %dma_wait3A_118 = tpu.memref_squeeze %dma_wait3A_117 : memref<1x!tpu.dma_semaphore, #tpu.memory_space<semaphore_mem>> -> memref<!tpu.dma_semaphore, #tpu.memory_space<semaphore_mem>>
    %dma_wait3A_119 = arith.constant 0 : i32
    %dma_wait3A_120 = arith.constant 0 : i32
    %dma_wait3A_121 = arith.constant 0 : i32
    %dma_wait3A_122 = tpu.memref_slice %arg4[%dma_wait3A_119, %dma_wait3A_120, %dma_wait3A_121] : memref<4x4096x1024xf32, #tpu.memory_space<hbm>> -> memref<4x8x1024xf32, #tpu.memory_space<hbm>>
    %dma_wait3A_123 = arith.constant 0 : i32
    %dma_wait3A_124 = arith.constant 0 : i32
    %dma_wait3A_125 = arith.constant 0 : i32
    %dma_wait3A_126 = tpu.memref_slice %arg6[%dma_wait3A_106, %dma_wait3A_123, %dma_wait3A_124, %dma_wait3A_125] : memref<2x4x8x1024xf32, #tpu.memory_space<vmem>> -> memref<1x4x8x1024xf32, #tpu.memory_space<vmem>>
    %dma_wait3A_127 = tpu.memref_squeeze %dma_wait3A_126 : memref<1x4x8x1024xf32, #tpu.memory_space<vmem>> -> memref<4x8x1024xf32, #tpu.memory_space<vmem>>
    tpu.wait_dma2 semaphore(%dma_wait3A_118 : memref<!tpu.dma_semaphore, #tpu.memory_space<semaphore_mem>>) src(%dma_wait3A_127 : memref<4x8x1024xf32, #tpu.memory_space<vmem>>) dst(%dma_wait3A_122 : memref<4x8x1024xf32, #tpu.memory_space<hbm>>)
    return
  }
}

</mosaic_0001>

<sc_bundles>
// kernel: kernel.3.cloned.1.call-start
scs
__scs_entry_jumppad:
0x0: {  	(pc) =	sbr.rel $0x88, $3  }
0x1: {  	(tag) =	ssettag $0x0;
	lr =	simm.s32 $0x1  }
0x2: {  	[smem:$0x3F9F] =	sst lr;
	_ =	strace $0xD0000000  }
0x3: {  	_ = 	snop  }
0x4: {  	_ = 	snop  }
0x5: {  	_ = 	snop  }
0x6: {  	_ = 	snop  }
0x7: {  	_ = 	snop  }
__scs_overlays_trampoline_lowered:
0x8: {  	[smem:$0x3FAE] =	sst s0  }
0x9: {  	[smem:$0x3FAF] =	sst s1  }
0xa: {  	[smem:$0x3FB0] =	sst s2  }
0xb: {  	[smem:$0x3FB1] =	sst s3  }
0xc: {  	[smem:$0x3FB2] =	sst s4  }
0xd: {  	[smem:$0x3FB3] =	sst s5  }
0xe: {  	[smem:$0x3FB4] =	sst s6  }
0xf: {  	[smem:$0x3FB5] =	sst s7  }
0x10: {  	[smem:$0x3FB6] =	sst s8  }
0x11: {  	[smem:$0x3FB7] =	sst s9;
	s0 =	simm.s32 @!p0 $0x0  }
0x12: {  	s1 =	sld [smem:$0x3F9D];
	s0 =	simm.s32 @p0 $0x1  }
0x13: {  	[smem:$0x3FB8] =	sst s0;
	s0 =	simm.s32 @!p1 $0x0  }
0x14: {  	s2 =	sld [smem:$0x3F9C];
	s0 =	simm.s32 @p1 $0x1  }
0x15: {  	[smem:$0x3FB9] =	sst s0;
	s0 =	simm.s32 @!p2 $0x0  }
0x16: {  	s3 =	sld [smem:$0x3FDB];
	s0 =	simm.s32 @p2 $0x1  }
0x17: {  	s4 =	simm.s32 $0x1BF5;
	[smem:$0x3FBB] =	sst s0  }
0x18: {  	s0 =	sld [smem:$0x3F9E];
	_ =	swait.ge [sflag:s4], $0x0  }
0x19: {  	s7 =	sld [smem:$0x3F9F]  }
0x1a: {  	s8 =	sadd.s32 $0xFFFFE003, lr  }
0x1b: {  	s9 =	sadd.s32 $0xFFFFFEF7, lr;
	s5 =	simm.s32 $0xFFFFFFFF;
	p2 =	slt.u32 s8, $0xFFFFF086  }
0x1c: {  	p1 =	slt.u32 s9, $0xF7A;
	s5 =	simm.s32 @!p2 $0x0  }
0x1d: {  	s5 =	simm.s32 @p1 $0x1;
	p0 =	seq.s32 s7, s2  }
0x1e: {  	s7 =	smul.u32 @!p0 $0xF7A, s2;
	p2 =	seq.s32 @!p0 s5, $0x0  }
0x1f: {  	s9 =	smul.u32 $0xF7A, s1;
	s8 =	simm.s32 @!p0 $0x1BF5;
	p2 =	por !p2, p0  }
0x20: {  	[sflag:s8] =	ssyncset.s32 @!p0 $0xFFFFF086;
	s6 =	sadd.s32 @!p0 s3, s7;
	s7 =	simm.s32 @!p0 $0x108  }
0x21: {  	s3 =	sadd.s32 s3, s9;
	s6 =	sadd.s32 @!p0 $0x88, s6;
	s7 =	simm.s32 @p2 $0x1082  }
0x22: {  	[simem:s7], [sflag:s8] =	dma.local @!p0 [hbm:s6], $0xF7A  }
0x23: {  	s9 =	sor.u32 $0xD0000000, s2;
	s6 =	simm.s32 $0x108;
	_ =	swait.ge @!p0 [sflag:s8], $0x0  }
0x24: {  	s3 =	sadd.s32 $0x88, s3;
	s6 =	simm.s32 @!p1 $0x1082;
	[sflag:s4] =	ssyncset.s32 $0xFFFFF086  }
0x25: {  	[simem:s6], [sflag:s4] =	dma.local [hbm:s3], $0xF7A  }
0x26: {  	[smem:$0x3F9F] =	sst s1;
	(tag) =	ssettag s2;
	_ =	strace s9  }
0x27: {  	s1 =	sld [smem:$0x3FAF]  }
0x28: {  	s2 =	sld [smem:$0x3FB0]  }
0x29: {  	s4 =	sld [smem:$0x3FB2]  }
0x2a: {  	p0 =	seq.s32 s5, $0x0;
	s5 =	sld [smem:$0x3FB3]  }
0x2b: {  	s6 =	sld [smem:$0x3FB4]  }
0x2c: {  	s7 =	sld [smem:$0x3FB5]  }
0x2d: {  	s3 =	simm.s32 $0x108;
	s8 =	sld [smem:$0x3FB6]  }
0x2e: {  	s3 =	simm.s32 @!p0 $0x1082;
	s9 =	sld [smem:$0x3FB7]  }
0x2f: {  	lr =	sadd.s32 s0, s3;
	s0 =	sld [smem:$0x3FAE]  }
0x30: {  	s3 =	sld [smem:$0x3FB1]  }
0x31: {  	[smem:$0x3FBA] =	sst s10  }
0x32: {  	s10 =	sld [smem:$0x3FB8];
	_ =	sdelay $0x3  }
0x33: {  	p0 =	seq.s32 s10, $0x1;
	s10 =	sld [smem:$0x3FBA];
	_ =	sdelay $0x3  }
0x34: {  	[smem:$0x3FBA] =	sst s10  }
0x35: {  	s10 =	sld [smem:$0x3FB9];
	_ =	sdelay $0x3  }
0x36: {  	p1 =	seq.s32 s10, $0x1;
	s10 =	sld [smem:$0x3FBA];
	_ =	sdelay $0x3  }
0x37: {  	[smem:$0x3FBA] =	sst s10  }
0x38: {  	s10 =	sld [smem:$0x3FBB]  }
0x39: {  	_ = 	snop;
	(pc) =	sbr.ind lr, $3  }
0x3a: {  	_ = 	snop  }
0x3b: {  	_ = 	snop  }
0x3c: {  	p2 =	seq.s32 s10, $0x1;
	s10 =	sld [smem:$0x3FBA]  }
0x3d: {  	_ =	shalt  }
0x3e: {  	_ =	shalt  }
0x3f: {  	_ =	shalt  }
0x40: {  	_ =	shalt  }
0x41: {  	_ =	shalt  }
0x42: {  	_ =	shalt  }
0x43: {  	_ =	shalt  }
0x44: {  	_ =	shalt  }
0x45: {  	_ =	shalt  }
0x46: {  	_ =	shalt  }
0x47: {  	_ =	shalt  }
0x48: {  	_ =	shalt  }
0x49: {  	_ =	shalt  }
0x4a: {  	_ =	shalt  }
0x4b: {  	_ =	shalt  }
0x4c: {  	_ =	shalt  }
0x4d: {  	_ =	shalt  }
0x4e: {  	_ =	shalt  }
0x4f: {  	_ =	shalt  }
0x50: {  	_ =	shalt  }
0x51: {  	_ =	shalt  }
0x52: {  	_ =	shalt  }
0x53: {  	_ =	shalt  }
0x54: {  	_ =	shalt  }
0x55: {  	_ =	shalt  }
0x56: {  	_ =	shalt  }
0x57: {  	_ =	shalt  }
0x58: {  	_ =	shalt  }
0x59: {  	_ =	shalt  }
0x5a: {  	_ =	shalt  }
0x5b: {  	_ =	shalt  }
0x5c: {  	_ =	shalt  }
0x5d: {  	_ =	shalt  }
0x5e: {  	_ =	shalt  }
0x5f: {  	_ =	shalt  }
0x60: {  	_ =	shalt  }
0x61: {  	_ =	shalt  }
0x62: {  	_ =	shalt  }
0x63: {  	_ =	shalt  }
0x64: {  	_ =	shalt  }
0x65: {  	_ =	shalt  }
0x66: {  	_ =	shalt  }
0x67: {  	_ =	shalt  }
0x68: {  	_ =	shalt  }
0x69: {  	_ =	shalt  }
0x6a: {  	_ =	shalt  }
0x6b: {  	_ =	shalt  }
0x6c: {  	_ =	shalt  }
0x6d: {  	_ =	shalt  }
0x6e: {  	_ =	shalt  }
0x6f: {  	_ =	shalt  }
0x70: {  	_ =	shalt  }
0x71: {  	_ =	shalt  }
0x72: {  	_ =	shalt  }
0x73: {  	_ =	shalt  }
0x74: {  	_ =	shalt  }
0x75: {  	_ =	shalt  }
0x76: {  	_ =	shalt  }
0x77: {  	_ =	shalt  }
0x78: {  	_ =	shalt  }
0x79: {  	_ =	shalt  }
0x7a: {  	_ =	shalt  }
0x7b: {  	_ =	shalt  }
0x7c: {  	_ =	shalt  }
0x7d: {  	_ =	shalt  }
0x7e: {  	_ =	shalt  }
0x7f: {  	_ =	shalt  }
0x80: {  	_ =	shalt  }
0x81: {  	_ =	shalt  }
0x82: {  	_ =	shalt  }
0x83: {  	_ =	shalt  }
0x84: {  	_ =	shalt  }
0x85: {  	_ =	shalt  }
0x86: {  	_ =	shalt  }
0x87: {  	_ =	shalt  }
.Lfunc_end0:
.L_simem_size_0:
called_computation_lowered:
.L_overlay_start_0:
0x88: {  	s2 =	sld [smem:$0x3FD9]  }
0x89: {  	s3 =	sld [smem:$0x3FFE];
	_ =	sdelay $0x1  }
0x8a: {  	s1 =	srdreg.scid  }
0x8b: {  	s0 =	sand.u32 $0x1, s1  }
0x8c: {  	s18 =	sshll.u32 s0, $0xA;
	s2 =	sadd.s32 s3, s2  }
0x8d: {  	s2 =	sadd.s32 s2, s18  }
0x8e: {  	[smem:$0x3FC6] =	sst s2  }
0x8f: {  	_ = 	snop  }
0x90: {  	s2 =	sld [smem:$0x3FC9]  }
0x91: {  	s19 =	sld [smem:$0x3FC8]  }
0x92: {  	s4 =	sld [smem:$0x3FD0];
	(tm) =	ssettm $0x1  }
0x93: {  	s5 =	sld [smem:$0x3FFB];
	_ =	sdelay $0x3  }
0x94: {  	_ =	strace s5  }
0x95: {  	s5 =	sld [smem:$0x3FFC];
	_ =	sdelay $0x3  }
0x96: {  	_ =	strace s5  }
0x97: {  	s5 =	sld [smem:$0x3FFD];
	_ =	sdelay $0x3  }
0x98: {  	_ =	strace s5  }
0x99: {  	_ =	strace $0x8FFFFFFF  }
0x9a: {  	s20 =	sld [smem:$0x3FDB];
	_ =	sdelay $0x1  }
0x9b: {  	s6 =	simm.s32 $_scs_section_size  }
0x9c: {  	s7 =	simm.s32 $_size__tile_overlayer_lowered;
	s8 =	simm.s32 $_tile_overlayer_lowered  }
0x9d: {  	s23 =	simm.s32 $0x1BFF;
	s22 =	sshll.u32 s8, $0x1;
	s5 =	sadd.s32 s6, s20  }
0x9e: {  	s9 =	simm.s32 $0x0;
	s21 =	sshll.u32 s7, $0x1;
	s7 =	sadd.s32 s22, s5  }
0x9f: {  	[timem:s9], [sflag:s23] =	dma.local [hbm:s7], s21  }
0xa0: {  	_ =	swait.ge [sflag:s23], s21  }
0xa1: {  	s6 =	ssub.s32 $0x0, s21;
	[sflag:s23] =	ssyncset.done $0x0  }
0xa2: {  	[sflag:s23] =	ssyncadd.s32 s6;
	_ =	sdelay $0x1  }
0xa3: {  	s24 =	simm.s32 $0x1B8B  }
0xa4: {  	_ =	swait.ge [sflag:s24], $0x1  }
0xa5: {  	[sflag:s24] =	ssyncset.done $0x0  }
0xa6: {  	s25 =	simm.s32 $0x1B8E;
	[sflag:s24] =	ssyncadd.s32 $0xFFFFFFFF  }
0xa7: {  	s26 =	simm.s32 $execute0_lowered;
	[smem:$0x3FD2] =	sst s25  }
0xa8: {  	s6 =	sshll.u32 s26, $0x1;
	_ =	strace $0x80000046;
	[dreg:$0x1] =	wrdreg $0xFFFFFFFF  }
0xa9: {  	s28 =	simm.s32 $_size_execute0_lowered;
	s5 =	sadd.s32 s5, s6;
	[dreg:$0x0] =	wrdreg $0x0  }
0xaa: {  	s6 =	sshll.u32 s28, $0x1;
	[dreg:$0x2] =	wrdreg s5  }
0xab: {  	[dreg:$0x3] =	wrdreg s6  }
0xac: {  	[dreg:$0x4] =	wrdreg $0xC0  }
0xad: {  	_ =	task [dreg:s9], $0x5FFFF  }
0xae: {  	[dreg:$0x1] =	wrdreg $0xFFFFFFFF  }
0xaf: {  	[dreg:$0x0] =	wrdreg $0x60  }
0xb0: {  	[dreg:$0x2] =	wrdreg s2  }
0xb1: {  	[dreg:$0x3] =	wrdreg s19  }
0xb2: {  	[dreg:$0x4] =	wrdreg s4  }
0xb3: {  	[dreg:$0x5] =	wrdreg $0x9  }
0xb4: {  	_ =	task.clear_ibuf [dreg:s9], $0x6FFFF;
	_ =	strace $0x90000046  }
0xb5: {  	s29 =	simm.s32 $0x9;
	_ =	strace $0x80000048  }
0xb6: {  	_ =	swait.ge [sflag:s29], $0x1  }
0xb7: {  	[sflag:s29] =	ssyncadd.s32 $0xFFFFFFFF  }
0xb8: {  	_ =	strace $0x90000048  }
0xb9: {  	_ =	sfence  }
0xba: {  	s30 =	sld [smem:$0x0];
	_ =	sdelay $0x2  }
0xbb: {  	s31 =	sshll.u32 s1, $0xD;
	s1 =	sshrl.u32 s1, $0x2  }
0xbc: {  	s3 =	sand.u32 $0x4000, s31;
	s1 =	sadd.s32 s1, s30  }
0xbd: {  	s0 =	sor.u32 s3, s0;
	s1 =	sshll.u32 s1, $0x11  }
0xbe: {  	s0 =	sor.u32 s1, s0  }
0xbf: {  	s0 =	sadd.s32 $0x8F2B, s0  }
0xc0: {  	[sflag:s0] =	ssyncadd.remote.s32 $0x1  }
0xc1: {  	_ =	sfence.sel $0xFFFF  }
0xc2: {  	[dreg:$0x0] =	wrdreg $0xFFFFFFFF;
	(pc) =	sbr.abs _section_cstart, $3  }
0xc3: {  	[dreg:$0x1] =	wrdreg $0xFFFFFFFF  }
0xc4: {  	_ =	task.clear_ibuf [dreg:s9], $0x2FFFF;
	_ =	strace $0x9FFFFFFF  }
0xc5: {  	(tm) =	ssettm $0x7FFFFFFF  }
tec
execute0_lowered:
.L_overlay_start_1:
0x0: {  	(tag) =	ssettag $0x1  }
0x1: {  	s1 =	rddreg [dreg:$0x0]  }
0x2: {  	s3 =	rddreg [dreg:$0x1]  }
0x3: {  	s0 =	rddreg [dreg:$0x2]  }
0x4: {  	s4 =	srdreg.scid;
	s2 =	stileid.u32;
	s14 =	simm.s32 $0x2000  }
0x5: {  	s15 =	simm.s32 $0x400000;
	s16 =	simm.s32 $0x4000;
	s17 =	simm.s32 $0xC000  }
0x6: {  	s18 =	simm.s32 $0x1;
	s19 =	simm.s32 $0x2;
	s20 =	simm.s32 $0x3  }
0x7: {  	s21 =	simm.s32 $0x4;
	s22 =	simm.s32 $0x0;
	s5 =	sand.u32 $0x1, s4  }
0x8: {  	s4 =	simm.s32 $0x0;
	s6 =	sshll.u32 s2, $0x8;
	s7 =	sshll.u32 s5, $0x7  }
0x9: {  	[smem:$0x7FF] =	sst s4;
	s5 =	ssub.s32 $0x2, s5;
	s8 =	sor.u32 s7, s6  }
0xa: {  	_ =	strace $0x80000047;
	s29 =	sshrl.u32 s5, $0x1;
	s9 =	sshll.u32 s8, $0x7  }
.Ltmp0:
0xb: {  	s12 =	ssub.s32 s5, s29;
	s11 =	sshrl.u32 s8, $0x3;
	(pc) =	sbr.rel .LBB2_1-.Ltmp0, $4  }
0xc: {  	s30 =	sadd.s32 s3, s9;
	s13 =	sor.u32 $0x400, s9;
	s31 =	sadd.s32 s1, s9  }
0xd: {  	s9 =	sadd.s32 s0, s9;
	s10 =	sor.u32 $0x2, s11;
	[dreg:$0x4] =	wrdreg s30  }
0xe: {  	s11 =	sor.u32 $0x3, s11;
	s12 =	smax.u32 s12, $0x1;
	[dreg:$0x5] =	wrdreg s31  }
0xf: {  	s7 =	sadd.s32 s3, s13;
	s8 =	sadd.s32 s1, s13;
	s13 =	sadd.s32 s0, s13  }
.LBB2_8:
0x10: {  	s22 =	sadd.s32 $0x1, s22  }
0x11: {  	_ =	swait.ge [sflag:s20], $0x8000;
	p0 =	sne.s32 s22, s12  }
.Ltmp1:
0x12: {  	[sflag:s20] =	ssyncset.done $0x0;
	(pc) =	sbr.rel @!p0 .LBB2_9-.Ltmp1, $4  }
0x13: {  	[sflag:s20] =	ssyncadd.s32 $0xFFFF8000  }
0x14: {  	_ =	swait.ge [sflag:s21], $0x8000  }
0x15: {  	[sflag:s21] =	ssyncset.done $0x0  }
0x16: {  	[sflag:s21] =	ssyncadd.s32 $0xFFFF8000  }
.LBB2_1:
0x17: {  	s0 =	rddreg [dreg:$0x4]  }
0x18: {  	[tilespmem:s4], [sflag:$0x1] =	stream.linear.gather [hbm4b:s0+s4], $0x2000, $0x38;
	[tilespmem:$0x14000] =	vst v63  }
0x19: {  	s31 =	rddreg [dreg:$0x5]  }
0x1a: {  	[tilespmem:s16], [sflag:$0x1] =	stream.strided.gather [hbm4b:s31+s14], $0x8000, s15, s14, $0x38;
	[tilespmem:$0x14000] =	vst v63  }
0x1b: {  	_ = 	snop  }
0x1c: {  	[tilespmem:s14], [sflag:$0x2] =	stream.linear.gather [hbm4b:s7+s4], $0x2000, $0x38;
	[tilespmem:$0x14000] =	vst v63  }
0x1d: {  	s23 =	simm.s32 $0x0  }
0x1e: {  	[tilespmem:s17], [sflag:$0x2] =	stream.strided.gather [hbm4b:s8+s14], $0x8000, s15, s14, $0x38;
	[tilespmem:$0x14000] =	vst v63  }
.LBB2_2:
0x1f: {  	_ =	swait.ge [sflag:s18], $0x2000  }
0x20: {  	s0 =	simm.s32 $0x0;
	[sflag:s18] =	ssyncset.done $0x0  }
0x21: {  	s0 =	smul.u32 $0xFFFF8200, s0;
	[sflag:s18] =	ssyncadd.s32 $0xFFFFE000  }
0x22: {  	_ =	swait.ge [sflag:s18], $0x8000  }
0x23: {  	s0 =	sshra.s32 s0, $0x2;
	[sflag:s18] =	ssyncset.done $0x0  }
0x24: {  	s24 =	sadd.s32 $0x70, s0;
	[sflag:s18] =	ssyncadd.s32 $0xFFFF8000  }
0x25: {  	v0 =	vld [tilespmem:s24+$0x0]  }
0x26: {  	s25 =	sadd.s32 $0x0, s0;
	v2 =	vld [tilespmem:s24+$0xFFFFFF90]  }
0x27: {  	v3 =	vld [tilespmem:s25+$0x10]  }
0x28: {  	v4 =	vld [tilespmem:s25+$0x20]  }
0x29: {  	v5 =	vld [tilespmem:s25+$0x30]  }
0x2a: {  	v6 =	vld [tilespmem:s25+$0x40]  }
0x2b: {  	v7 =	vld [tilespmem:s25+$0x50]  }
0x2c: {  	s24 =	sadd.s32 $0x4000, s0;
	v1 =	vld [tilespmem:s25+$0x60]  }
0x2d: {  	[tilespmem:s24+$0x6070] =	vst.add.f32.msk $0xffff, v0  }
0x2e: {  	[tilespmem:s24+$0x0] =	vst.add.f32.msk $0xffff, v2  }
0x2f: {  	[tilespmem:s24+$0x2000] =	vst.add.f32.msk $0xffff, v2  }
0x30: {  	[tilespmem:s24+$0x4000] =	vst.add.f32.msk $0xffff, v2  }
0x31: {  	[tilespmem:s24+$0x6000] =	vst.add.f32.msk $0xffff, v2  }
0x32: {  	[tilespmem:s24+$0x10] =	vst.add.f32.msk $0xffff, v3  }
0x33: {  	[tilespmem:s24+$0x2010] =	vst.add.f32.msk $0xffff, v3  }
0x34: {  	[tilespmem:s24+$0x4010] =	vst.add.f32.msk $0xffff, v3  }
0x35: {  	[tilespmem:s24+$0x6010] =	vst.add.f32.msk $0xffff, v3  }
0x36: {  	[tilespmem:s24+$0x20] =	vst.add.f32.msk $0xffff, v4  }
0x37: {  	[tilespmem:s24+$0x2020] =	vst.add.f32.msk $0xffff, v4  }
0x38: {  	[tilespmem:s24+$0x4020] =	vst.add.f32.msk $0xffff, v4  }
0x39: {  	[tilespmem:s24+$0x6020] =	vst.add.f32.msk $0xffff, v4  }
0x3a: {  	[tilespmem:s24+$0x30] =	vst.add.f32.msk $0xffff, v5  }
0x3b: {  	[tilespmem:s24+$0x2030] =	vst.add.f32.msk $0xffff, v5  }
0x3c: {  	[tilespmem:s24+$0x4030] =	vst.add.f32.msk $0xffff, v5  }
0x3d: {  	[tilespmem:s24+$0x6030] =	vst.add.f32.msk $0xffff, v5  }
0x3e: {  	[tilespmem:s24+$0x40] =	vst.add.f32.msk $0xffff, v6  }
0x3f: {  	[tilespmem:s24+$0x2040] =	vst.add.f32.msk $0xffff, v6  }
0x40: {  	[tilespmem:s24+$0x4040] =	vst.add.f32.msk $0xffff, v6  }
0x41: {  	[tilespmem:s24+$0x6040] =	vst.add.f32.msk $0xffff, v6  }
0x42: {  	[tilespmem:s24+$0x50] =	vst.add.f32.msk $0xffff, v7  }
0x43: {  	[tilespmem:s24+$0x2050] =	vst.add.f32.msk $0xffff, v7  }
0x44: {  	[tilespmem:s24+$0x4050] =	vst.add.f32.msk $0xffff, v7  }
0x45: {  	[tilespmem:s24+$0x6050] =	vst.add.f32.msk $0xffff, v7  }
0x46: {  	s26 =	simm.s32 $0x4000;
	s28 =	simm.s32 $0x70;
	[tilespmem:s24+$0x60] =	vst.add.f32.msk $0xffff, v1  }
0x47: {  	s29 =	simm.s32 $0x0;
	s30 =	simm.s32 $0x8;
	s25 =	simm.s32 $0x0;
	[tilespmem:s24+$0x2060] =	vst.add.f32.msk $0xffff, v1  }
.LBB2_3:
0x48: {  	s0 =	sshrl.u32 s30, $0x6;
	s29 =	sadd.s32 $0x8, s29;
	[tilespmem:s24+$0x4060] =	vst.add.f32.msk $0xffff, v1  }
0x49: {  	s0 =	smul.u32 $0xFFFF8200, s0;
	p0 =	slt.u32 s29, $0x1F8;
	[tilespmem:s24+$0x6060] =	vst.add.f32.msk $0xffff, v1  }
0x4a: {  	[tilespmem:s24+$0x70] =	vst.add.f32.msk $0xffff, v0  }
0x4b: {  	s28 =	sadd.s32 $0x400, s28;
	s25 =	sadd.s32 $0x400, s25;
	s0 =	sshra.s32 s0, $0x2;
	[tilespmem:s24+$0x2070] =	vst.add.f32.msk $0xffff, v0  }
0x4c: {  	s31 =	sadd.s32 s0, s28;
	s2 =	sadd.s32 s0, s25;
	[tilespmem:s24+$0x4070] =	vst.add.f32.msk $0xffff, v0  }
0x4d: {  	v0 =	vld [tilespmem:s31+$0x0]  }
0x4e: {  	v2 =	vld [tilespmem:s31+$0xFFFFFF90]  }
0x4f: {  	v3 =	vld [tilespmem:s2+$0x10]  }
0x50: {  	s26 =	sadd.s32 $0x400, s26;
	v4 =	vld [tilespmem:s2+$0x20]  }
0x51: {  	s24 =	sadd.s32 s0, s26;
	v5 =	vld [tilespmem:s2+$0x30]  }
0x52: {  	[tilespmem:s24+$0x6070] =	vst.add.f32.msk $0xffff, v0  }
0x53: {  	v6 =	vld [tilespmem:s2+$0x40]  }
0x54: {  	v7 =	vld [tilespmem:s2+$0x50]  }
0x55: {  	v1 =	vld [tilespmem:s2+$0x60]  }
0x56: {  	[tilespmem:s24+$0x0] =	vst.add.f32.msk $0xffff, v2  }
0x57: {  	[tilespmem:s24+$0x2000] =	vst.add.f32.msk $0xffff, v2  }
0x58: {  	[tilespmem:s24+$0x4000] =	vst.add.f32.msk $0xffff, v2  }
0x59: {  	[tilespmem:s24+$0x6000] =	vst.add.f32.msk $0xffff, v2  }
0x5a: {  	[tilespmem:s24+$0x10] =	vst.add.f32.msk $0xffff, v3  }
0x5b: {  	[tilespmem:s24+$0x2010] =	vst.add.f32.msk $0xffff, v3  }
0x5c: {  	[tilespmem:s24+$0x4010] =	vst.add.f32.msk $0xffff, v3  }
0x5d: {  	[tilespmem:s24+$0x6010] =	vst.add.f32.msk $0xffff, v3  }
0x5e: {  	[tilespmem:s24+$0x20] =	vst.add.f32.msk $0xffff, v4  }
0x5f: {  	[tilespmem:s24+$0x2020] =	vst.add.f32.msk $0xffff, v4  }
0x60: {  	[tilespmem:s24+$0x4020] =	vst.add.f32.msk $0xffff, v4  }
0x61: {  	[tilespmem:s24+$0x6020] =	vst.add.f32.msk $0xffff, v4  }
0x62: {  	[tilespmem:s24+$0x30] =	vst.add.f32.msk $0xffff, v5  }
0x63: {  	[tilespmem:s24+$0x2030] =	vst.add.f32.msk $0xffff, v5  }
0x64: {  	[tilespmem:s24+$0x4030] =	vst.add.f32.msk $0xffff, v5  }
0x65: {  	[tilespmem:s24+$0x6030] =	vst.add.f32.msk $0xffff, v5  }
0x66: {  	[tilespmem:s24+$0x40] =	vst.add.f32.msk $0xffff, v6  }
0x67: {  	[tilespmem:s24+$0x2040] =	vst.add.f32.msk $0xffff, v6  }
0x68: {  	[tilespmem:s24+$0x4040] =	vst.add.f32.msk $0xffff, v6  }
0x69: {  	[tilespmem:s24+$0x6040] =	vst.add.f32.msk $0xffff, v6  }
0x6a: {  	[tilespmem:s24+$0x50] =	vst.add.f32.msk $0xffff, v7  }
.Ltmp2:
0x6b: {  	[tilespmem:s24+$0x2050] =	vst.add.f32.msk $0xffff, v7;
	(pc) =	sbr.rel @p0 .LBB2_3-.Ltmp2, $4  }
0x6c: {  	[tilespmem:s24+$0x4050] =	vst.add.f32.msk $0xffff, v7  }
0x6d: {  	[tilespmem:s24+$0x6050] =	vst.add.f32.msk $0xffff, v7  }
0x6e: {  	[tilespmem:s24+$0x60] =	vst.add.f32.msk $0xffff, v1  }
0x6f: {  	s30 =	sadd.s32 $0x8, s30;
	[tilespmem:s24+$0x2060] =	vst.add.f32.msk $0xffff, v1  }
0x70: {  	[tilespmem:s24+$0x4060] =	vst.add.f32.msk $0xffff, v1  }
0x71: {  	[tilespmem:s24+$0x6060] =	vst.add.f32.msk $0xffff, v1  }
0x72: {  	[tilespmem:s24+$0x70] =	vst.add.f32.msk $0xffff, v0  }
0x73: {  	[tilespmem:s24+$0x2070] =	vst.add.f32.msk $0xffff, v0;
	s25 =	sshll.u32 s23, $0xB  }
0x74: {  	[tilespmem:s24+$0x4070] =	vst.add.f32.msk $0xffff, v0;
	s24 =	sshll.u32 s23, $0x1;
	p0 =	seq.s32 s23, $0x7;
	s0 =	sadd.s32 s25, s9  }
0x75: {  	[hbm4b:s0+s14] =	stream.strided.scatter [tilespmem:s16], [sflag:$0x3], $0x8000, s15, s14, $0x38;
	[tilespmem:$0x14000] =	vst v63  }
0x76: {  	s2 =	sadd.s32 @!p0 s24, s10;
	s0 =	simm.s32 @!p0 $0x3  }
0x77: {  	s2 =	sshll.u32 @!p0 s2, $0xA;
	_ =	swait.ge @!p0 [sflag:s0], $0x8000  }
0x78: {  	s26 =	simm.s32 @!p0 $0x0;
	s2 =	sand.u32 @!p0 $0x1FFFF800, s2;
	[sflag:s0] =	ssyncset.done @!p0 $0x0  }
0x79: {  	s28 =	simm.s32 @!p0 $0x4000;
	[sflag:s0] =	ssyncadd.s32 @!p0 $0xFFFF8000;
	s0 =	sadd.s32 @!p0 s3, s2  }
0x7a: {  	[tilespmem:s26], [sflag:$0x1] =	stream.linear.gather @!p0 [hbm4b:s0+s26], $0x2000, $0x38;
	[tilespmem:$0x14000] =	vst v63  }
0x7b: {  	s0 =	sadd.s32 @!p0 s1, s2;
	s2 =	simm.s32 @!p0 $0x2000;
	s26 =	simm.s32 @!p0 $0x400000  }
0x7c: {  	[tilespmem:s28], [sflag:$0x1] =	stream.strided.gather @!p0 [hbm4b:s0+s2], $0x8000, s26, s2, $0x38;
	[tilespmem:$0x14000] =	vst v63  }
0x7d: {  	_ =	swait.ge [sflag:s19], $0x2000  }
0x7e: {  	s6 =	simm.s32 $0x0;
	[sflag:s19] =	ssyncset.done $0x0  }
0x7f: {  	s0 =	smul.u32 $0xFFFF8200, s6;
	[sflag:s19] =	ssyncadd.s32 $0xFFFFE000  }
0x80: {  	_ =	swait.ge [sflag:s19], $0x8000  }
0x81: {  	s0 =	sshra.s32 s0, $0x2;
	[sflag:s19] =	ssyncset.done $0x0  }
0x82: {  	s26 =	sadd.s32 $0x2070, s0;
	[sflag:s19] =	ssyncadd.s32 $0xFFFF8000  }
0x83: {  	s28 =	sadd.s32 $0x0, s0;
	v0 =	vld [tilespmem:s26+$0x0]  }
0x84: {  	v2 =	vld [tilespmem:s28+$0x2000]  }
0x85: {  	v3 =	vld [tilespmem:s28+$0x2010]  }
0x86: {  	v4 =	vld [tilespmem:s28+$0x2020]  }
0x87: {  	v5 =	vld [tilespmem:s28+$0x2030]  }
0x88: {  	v6 =	vld [tilespmem:s28+$0x2040]  }
0x89: {  	v7 =	vld [tilespmem:s28+$0x2050]  }
0x8a: {  	s26 =	sadd.s32 $0x4000, s0;
	v1 =	vld [tilespmem:s28+$0x2060]  }
0x8b: {  	[tilespmem:s26+$0xE070] =	vst.add.f32.msk $0xffff, v0  }
0x8c: {  	[tilespmem:s26+$0x8000] =	vst.add.f32.msk $0xffff, v2  }
0x8d: {  	[tilespmem:s26+$0xA000] =	vst.add.f32.msk $0xffff, v2  }
0x8e: {  	[tilespmem:s26+$0xC000] =	vst.add.f32.msk $0xffff, v2  }
0x8f: {  	[tilespmem:s26+$0xE000] =	vst.add.f32.msk $0xffff, v2  }
0x90: {  	[tilespmem:s26+$0x8010] =	vst.add.f32.msk $0xffff, v3  }
0x91: {  	[tilespmem:s26+$0xA010] =	vst.add.f32.msk $0xffff, v3  }
0x92: {  	[tilespmem:s26+$0xC010] =	vst.add.f32.msk $0xffff, v3  }
0x93: {  	[tilespmem:s26+$0xE010] =	vst.add.f32.msk $0xffff, v3  }
0x94: {  	[tilespmem:s26+$0x8020] =	vst.add.f32.msk $0xffff, v4  }
0x95: {  	[tilespmem:s26+$0xA020] =	vst.add.f32.msk $0xffff, v4  }
0x96: {  	[tilespmem:s26+$0xC020] =	vst.add.f32.msk $0xffff, v4  }
0x97: {  	[tilespmem:s26+$0xE020] =	vst.add.f32.msk $0xffff, v4  }
0x98: {  	[tilespmem:s26+$0x8030] =	vst.add.f32.msk $0xffff, v5  }
0x99: {  	[tilespmem:s26+$0xA030] =	vst.add.f32.msk $0xffff, v5  }
0x9a: {  	[tilespmem:s26+$0xC030] =	vst.add.f32.msk $0xffff, v5  }
0x9b: {  	[tilespmem:s26+$0xE030] =	vst.add.f32.msk $0xffff, v5  }
0x9c: {  	[tilespmem:s26+$0x8040] =	vst.add.f32.msk $0xffff, v6  }
0x9d: {  	[tilespmem:s26+$0xA040] =	vst.add.f32.msk $0xffff, v6  }
0x9e: {  	[tilespmem:s26+$0xC040] =	vst.add.f32.msk $0xffff, v6  }
0x9f: {  	[tilespmem:s26+$0xE040] =	vst.add.f32.msk $0xffff, v6  }
0xa0: {  	[tilespmem:s26+$0x8050] =	vst.add.f32.msk $0xffff, v7  }
0xa1: {  	[tilespmem:s26+$0xA050] =	vst.add.f32.msk $0xffff, v7  }
0xa2: {  	[tilespmem:s26+$0xC050] =	vst.add.f32.msk $0xffff, v7  }
0xa3: {  	[tilespmem:s26+$0xE050] =	vst.add.f32.msk $0xffff, v7  }
0xa4: {  	s29 =	simm.s32 $0x2070;
	s30 =	simm.s32 $0x4000;
	[tilespmem:s26+$0x8060] =	vst.add.f32.msk $0xffff, v1  }
0xa5: {  	s31 =	simm.s32 $0x0;
	s28 =	simm.s32 $0x0;
	s0 =	simm.s32 $0x8;
	[tilespmem:s26+$0xA060] =	vst.add.f32.msk $0xffff, v1  }
.LBB2_5:
0xa6: {  	s2 =	sshrl.u32 s0, $0x6;
	s31 =	sadd.s32 $0x8, s31;
	[tilespmem:s26+$0xC060] =	vst.add.f32.msk $0xffff, v1  }
0xa7: {  	s2 =	smul.u32 $0xFFFF8200, s2;
	p1 =	slt.u32 s31, $0x1F8;
	[tilespmem:s26+$0xE060] =	vst.add.f32.msk $0xffff, v1  }
0xa8: {  	[tilespmem:s26+$0x8070] =	vst.add.f32.msk $0xffff, v0  }
0xa9: {  	s29 =	sadd.s32 $0x400, s29;
	s28 =	sadd.s32 $0x400, s28;
	s2 =	sshra.s32 s2, $0x2;
	[tilespmem:s26+$0xA070] =	vst.add.f32.msk $0xffff, v0  }
0xaa: {  	s5 =	sadd.s32 s2, s28;
	s6 =	sadd.s32 s2, s29;
	[tilespmem:s26+$0xC070] =	vst.add.f32.msk $0xffff, v0  }
0xab: {  	v0 =	vld [tilespmem:s6+$0x0]  }
0xac: {  	v2 =	vld [tilespmem:s5+$0x2000]  }
0xad: {  	v3 =	vld [tilespmem:s5+$0x2010]  }
0xae: {  	s30 =	sadd.s32 $0x400, s30;
	v4 =	vld [tilespmem:s5+$0x2020]  }
0xaf: {  	s26 =	sadd.s32 s2, s30;
	v5 =	vld [tilespmem:s5+$0x2030]  }
0xb0: {  	[tilespmem:s26+$0xE070] =	vst.add.f32.msk $0xffff, v0  }
0xb1: {  	v6 =	vld [tilespmem:s5+$0x2040]  }
0xb2: {  	v7 =	vld [tilespmem:s5+$0x2050]  }
0xb3: {  	v1 =	vld [tilespmem:s5+$0x2060]  }
0xb4: {  	[tilespmem:s26+$0x8000] =	vst.add.f32.msk $0xffff, v2  }
0xb5: {  	[tilespmem:s26+$0xA000] =	vst.add.f32.msk $0xffff, v2  }
0xb6: {  	[tilespmem:s26+$0xC000] =	vst.add.f32.msk $0xffff, v2  }
0xb7: {  	[tilespmem:s26+$0xE000] =	vst.add.f32.msk $0xffff, v2  }
0xb8: {  	[tilespmem:s26+$0x8010] =	vst.add.f32.msk $0xffff, v3  }
0xb9: {  	[tilespmem:s26+$0xA010] =	vst.add.f32.msk $0xffff, v3  }
0xba: {  	[tilespmem:s26+$0xC010] =	vst.add.f32.msk $0xffff, v3  }
0xbb: {  	[tilespmem:s26+$0xE010] =	vst.add.f32.msk $0xffff, v3  }
0xbc: {  	[tilespmem:s26+$0x8020] =	vst.add.f32.msk $0xffff, v4  }
0xbd: {  	[tilespmem:s26+$0xA020] =	vst.add.f32.msk $0xffff, v4  }
0xbe: {  	[tilespmem:s26+$0xC020] =	vst.add.f32.msk $0xffff, v4  }
0xbf: {  	[tilespmem:s26+$0xE020] =	vst.add.f32.msk $0xffff, v4  }
0xc0: {  	[tilespmem:s26+$0x8030] =	vst.add.f32.msk $0xffff, v5  }
0xc1: {  	[tilespmem:s26+$0xA030] =	vst.add.f32.msk $0xffff, v5  }
0xc2: {  	[tilespmem:s26+$0xC030] =	vst.add.f32.msk $0xffff, v5  }
0xc3: {  	[tilespmem:s26+$0xE030] =	vst.add.f32.msk $0xffff, v5  }
0xc4: {  	[tilespmem:s26+$0x8040] =	vst.add.f32.msk $0xffff, v6  }
0xc5: {  	[tilespmem:s26+$0xA040] =	vst.add.f32.msk $0xffff, v6  }
0xc6: {  	[tilespmem:s26+$0xC040] =	vst.add.f32.msk $0xffff, v6  }
0xc7: {  	[tilespmem:s26+$0xE040] =	vst.add.f32.msk $0xffff, v6  }
0xc8: {  	[tilespmem:s26+$0x8050] =	vst.add.f32.msk $0xffff, v7  }
.Ltmp3:
0xc9: {  	[tilespmem:s26+$0xA050] =	vst.add.f32.msk $0xffff, v7;
	(pc) =	sbr.rel @p1 .LBB2_5-.Ltmp3, $4  }
0xca: {  	[tilespmem:s26+$0xC050] =	vst.add.f32.msk $0xffff, v7  }
0xcb: {  	[tilespmem:s26+$0xE050] =	vst.add.f32.msk $0xffff, v7  }
0xcc: {  	[tilespmem:s26+$0x8060] =	vst.add.f32.msk $0xffff, v1  }
0xcd: {  	s0 =	sadd.s32 $0x8, s0;
	[tilespmem:s26+$0xA060] =	vst.add.f32.msk $0xffff, v1  }
0xce: {  	[tilespmem:s26+$0xC060] =	vst.add.f32.msk $0xffff, v1  }
.Ltmp4:
0xcf: {  	[tilespmem:s26+$0xE060] =	vst.add.f32.msk $0xffff, v1;
	(pc) =	sbr.rel @p0 .LBB2_8-.Ltmp4, $4  }
0xd0: {  	[tilespmem:s26+$0x8070] =	vst.add.f32.msk $0xffff, v0  }
0xd1: {  	[tilespmem:s26+$0xA070] =	vst.add.f32.msk $0xffff, v0  }
0xd2: {  	[tilespmem:s26+$0xC070] =	vst.add.f32.msk $0xffff, v0;
	s0 =	sadd.s32 s13, s25  }
0xd3: {  	[hbm4b:s0+s14] =	stream.strided.scatter [tilespmem:s17], [sflag:$0x4], $0x8000, s15, s14, $0x38;
	[tilespmem:$0x14000] =	vst v63  }
0xd4: {  	_ =	swait.ge [sflag:s21], $0x8000;
	s0 =	sadd.s32 s24, s11  }
.Ltmp5:
0xd5: {  	[sflag:s21] =	ssyncset.done $0x0;
	s0 =	sshll.u32 s0, $0xA;
	(pc) =	sbr.rel .LBB2_2-.Ltmp5, $4  }
0xd6: {  	[sflag:s21] =	ssyncadd.s32 $0xFFFF8000;
	s2 =	sadd.s32 s3, s0  }
0xd7: {  	[tilespmem:s14], [sflag:$0x2] =	stream.linear.gather [hbm4b:s2+s4], $0x2000, $0x38;
	[tilespmem:$0x14000] =	vst v63  }
0xd8: {  	s23 =	sadd.s32 $0x1, s23;
	s0 =	sadd.s32 s1, s0  }
0xd9: {  	[tilespmem:s17], [sflag:$0x2] =	stream.strided.gather [hbm4b:s0+s14], $0x8000, s15, s14, $0x38;
	[tilespmem:$0x14000] =	vst v63  }
.LBB2_9:
0xda: {  	_ =	sfence.sel $0x180000  }
0xdb: {  	[bflag:$0x0] =	sbarrier.arrive $0xFFFF  }
0xdc: {  	_ =	strace $0x90000047  }
0xdd: {  	s0 =	stileid.u32;
	[bflag:$0x2] =	sbarrier.arrive $0xFFFF  }
0xde: {  	p0 =	sne.s32 s0, $0x0;
	s0 =	rddreg [dreg:$0x3]  }
0xdf: {  	s0 =	sadd.s32 @!p0 $0x100000, s0  }
0xe0: {  	[sflag:s0] =	ssyncadd.tile.s32 @!p0 $0x1;
	_ =	shalt  }
.Lfunc_end2:
_tile_overlayer_lowered:
.L_overlay_start_2:
0xe1: {  	(tag) =	ssettag $0x2  }
0xe2: {  	s0 =	rddreg [dreg:$0x0];
	s2 =	stileid.u32  }
0xe3: {  	s1 =	rddreg [dreg:$0x1];
	p0 =	sne.s32 s2, $0x0  }
0xe4: {  	s3 =	rddreg [dreg:$0x2];
	[bflag:$0x3] =	sbarrier.arrive $0xFFFF;
	s2 =	simm.s32 @!p0 $0x1C05  }
0xe5: {  	[timem:s3], [sflag:s2] =	dma.local @!p0 [hbm:s0], s1  }
0xe6: {  	s0 =	simm.s32 @!p0 $0x5  }
0xe7: {  	_ =	swait.ge @!p0 [sflag:s0], s1  }
0xe8: {  	s1 =	ssub.s32 @!p0 $0x0, s1;
	[sflag:s0] =	ssyncset.done @!p0 $0x0  }
0xe9: {  	[sflag:s0] =	ssyncadd.s32 @!p0 s1  }
0xea: {  	[bflag:$0x3] =	sbarrier.arrive $0xFFFF  }
0xeb: {  	_ =	shalt  }

</sc_bundles>
